<compile_context>
chip_gen: v7x
topology: tpu7x:2x2x1
jax: 0.10.2.dev20260603
libtpu: 0.0.44.dev20260713+nightly
codegen_flags: <defaults>
</compile_context>

<pallas_src>
import functools

import jax
import jax.numpy as jnp
from jax import lax
from jax.experimental import pallas as pl
from jax.experimental.pallas import tpu as pltpu
from jax.experimental.pallas import tpu_sc as plsc

_B = 16384
_D = 16
_NW = 32
_BPW = _B // _NW
_W = 4
_NWAVE = _BPW // _W
_WPC = 128 // _W


def _body(user_hbm, item_hbm, t0_hbm, t1_hbm, t2_hbm, t3_hbm, out_hbm,
          uidx_v, iidx_v, panel_v, ring_v, usm, ism, sem, wsem):
    wid = lax.axis_index("s") * 2 + lax.axis_index("c")
    base = wid * _BPW

    pltpu.sync_copy(user_hbm.at[pl.ds(base, _BPW)], uidx_v)
    pltpu.sync_copy(item_hbm.at[pl.ds(base, _BPW)], iidx_v)

    sv = lax.iota(jnp.int32, 16)
    sv_kk = sv >> 2
    sv_user = (sv & 1) == 0
    rows0 = (sv & 3) * _D
    tables = (t0_hbm, t1_hbm, t2_hbm, t3_hbm)

    def spill(q, carry):
        uvec = uidx_v[pl.ds(q * 16, 16)]
        ivec = iidx_v[pl.ds(q * 16, 16)]
        for e in range(16):
            usm[q * 16 + e] = uvec[e]
            ism[q * 16 + e] = ivec[e]
        return carry

    lax.fori_loop(0, _BPW // 16, spill, 0)

    def issue(g, par):
        for kk in range(_W):
            u = usm[g * _W + kk]
            i = ism[g * _W + kk]
            uoff = pl.multiple_of((u >> 7) << 7, 128)
            ioff = pl.multiple_of((i >> 7) << 7, 128)
            for t in range(4):
                off = uoff if t % 2 == 0 else ioff
                pltpu.async_copy(
                    tables[t].at[:, pl.ds(off, 128)],
                    ring_v.at[par, kk * 4 + t], sem)

    def drain_and_extract(e, par):
        for s in range(4 * _W):
            pltpu.make_async_copy(
                tables[0].at[:, pl.ds(0, 128)],
                ring_v.at[par, s], sem).wait()
        buf = (e // _WPC) & 1
        pos = jnp.full((16,), e * _W, jnp.int32) + sv_kk
        uvals = plsc.load_gather(uidx_v, [pos])
        ivals = plsc.load_gather(iidx_v, [pos])
        lanes = jnp.where(sv_user, uvals, ivals) & 127
        cols = jnp.full((16,), (e * _W) & 127, jnp.int32) + sv_kk
        ring_w = ring_v.at[par]
        panel_w = panel_v.at[buf]
        for c in range(16):
            vec = plsc.load_gather(ring_w, [sv, jnp.full((16,), c, jnp.int32), lanes])
            plsc.store_scatter(panel_w, [rows0 + c, cols], vec)

    def issue_writeback(c):
        off = pl.multiple_of(base + c * 128, 128)
        pltpu.async_copy(
            panel_v.at[c & 1], out_hbm.at[:, pl.ds(off, 128)], wsem)

    def drain_writeback():
        pltpu.make_async_copy(
            panel_v.at[0], out_hbm.at[:, pl.ds(0, 128)], wsem).wait()

    def wave(g, carry):
        @pl.when(g < _NWAVE)
        def _():
            issue(g, g % 3)

        @pl.when(g >= 2)
        def _():
            e = g - 2

            @pl.when((e % _WPC == 0) & (e >= 2 * _WPC))
            def _():
                drain_writeback()

            drain_and_extract(e, e % 3)

            @pl.when(e % _WPC == _WPC - 1)
            def _():
                issue_writeback(e // _WPC)

        return carry

    lax.fori_loop(0, _NWAVE + 2, wave, 0)
    drain_writeback()
    drain_writeback()


@jax.jit
def _run(user, item, t0, t1, t2, t3):
    mesh = plsc.VectorSubcoreMesh(core_axis_name="c", subcore_axis_name="s")
    k = functools.partial(
        pl.kernel,
        mesh=mesh,
        out_type=jax.ShapeDtypeStruct((4 * _D, _B), jnp.float32),
        scratch_types=[
            pltpu.VMEM((_BPW,), jnp.int32),
            pltpu.VMEM((_BPW,), jnp.int32),
            pltpu.VMEM((2, 4 * _D, 128), jnp.float32),
            pltpu.VMEM((3, 4 * _W, 16, 128), jnp.float32),
            pltpu.SMEM((_BPW,), jnp.int32),
            pltpu.SMEM((_BPW,), jnp.int32),
            pltpu.SemaphoreType.DMA,
            pltpu.SemaphoreType.DMA,
        ],
        compiler_params=pltpu.CompilerParams(needs_layout_passes=False),
    )(_body)
    return k(user, item, t0, t1, t2, t3)


def kernel(user, item, MF_Embedding_User, MF_Embedding_Item,
           MLP_Embedding_User, MLP_Embedding_Item):
    out = _run(user, item, MF_Embedding_User.T, MF_Embedding_Item.T,
               MLP_Embedding_User.T, MLP_Embedding_Item.T)
    return out.T

# --- scband reference (transcript-rebuilt; emitter-appended) ---
"""Pipeline reference for scband-embedding-88390426952352 (READ-ONLY COPY).

The authoritative reference and input builder live on the scoring server;
editing this copy changes nothing except your own understanding.
"""

import jax, jax.numpy as jnp
import numpy as np

NUM_USERS = 1000000
NUM_ITEMS = 1000000
MF_DIM = 16
MLP_LAYER = 32
MLP_EMB_DIM = MLP_LAYER // 2  # 16
BATCH = 16384


def setup_inputs(seed: int = 0) -> dict:
    key = jax.random.key(seed)
    ks = jax.random.split(key, 6)
    user = jax.random.randint(ks[0], (BATCH,), 0, NUM_USERS, dtype=jnp.int64 if jax.config.jax_enable_x64 else jnp.int32).astype(jnp.int32)
    item = jax.random.randint(ks[1], (BATCH,), 0, NUM_ITEMS, dtype=jnp.int64 if jax.config.jax_enable_x64 else jnp.int32).astype(jnp.int32)
    MF_Embedding_User = jax.random.normal(ks[2], (NUM_USERS, MF_DIM), dtype=jnp.float32) * 0.01
    MF_Embedding_Item = jax.random.normal(ks[3], (NUM_ITEMS, MF_DIM), dtype=jnp.float32) * 0.01
    MLP_Embedding_User = jax.random.normal(ks[4], (NUM_USERS, MLP_EMB_DIM), dtype=jnp.float32) * 0.01
    MLP_Embedding_Item = jax.random.normal(ks[5], (NUM_ITEMS, MLP_EMB_DIM), dtype=jnp.float32) * 0.01
    return {
        "user": user,
        "item": item,
        "MF_Embedding_User": MF_Embedding_User,
        "MF_Embedding_Item": MF_Embedding_Item,
        "MLP_Embedding_User": MLP_Embedding_User,
        "MLP_Embedding_Item": MLP_Embedding_Item,
    }


def reference(user, item, MF_Embedding_User, MF_Embedding_Item, MLP_Embedding_User, MLP_Embedding_Item):
    # Four embedding lookups (NeuMF-style Embedding module)
    mf_u = jnp.take(MF_Embedding_User, user, axis=0)   # [B, mf_dim]
    mf_i = jnp.take(MF_Embedding_Item, item, axis=0)   # [B, mf_dim]
    mlp_u = jnp.take(MLP_Embedding_User, user, axis=0) # [B, mlp_layer/2]
    mlp_i = jnp.take(MLP_Embedding_Item, item, axis=0) # [B, mlp_layer/2]
    return jnp.concatenate([mf_u, mf_i, mlp_u, mlp_i], axis=-1)  # [B, 64]

if __name__ == "__main__":
    import jax
    _d = setup_inputs()
    print(jax.jit(kernel)(*tuple(_d.values())))

</pallas_src>

<mosaic_0001>
#map = affine_map<(d0, d1) -> (0)>
#map1 = affine_map<(d0, d1) -> (0, 0)>
module attributes {stable_mosaic.version = 14 : i64} {
  func.func @_body(%arg0: i32, %arg1: i32, %arg2: memref<16384xi32, #tpu.memory_space<hbm>>, %arg3: memref<16384xi32, #tpu.memory_space<hbm>>, %arg4: memref<16x1000000xf32, #tpu.memory_space<hbm>>, %arg5: memref<16x1000000xf32, #tpu.memory_space<hbm>>, %arg6: memref<16x1000000xf32, #tpu.memory_space<hbm>>, %arg7: memref<16x1000000xf32, #tpu.memory_space<hbm>>, %arg8: memref<64x16384xf32, #tpu.memory_space<hbm>>, %arg9: memref<512xi32, #tpu.memory_space<vmem>>, %arg10: memref<512xi32, #tpu.memory_space<vmem>>, %arg11: memref<2x64x128xf32, #tpu.memory_space<vmem>>, %arg12: memref<3x16x16x128xf32, #tpu.memory_space<vmem>>, %arg13: memref<512xi32, #tpu.memory_space<smem>>, %arg14: memref<512xi32, #tpu.memory_space<smem>>, %arg15: memref<!tpu.dma_semaphore, #tpu.memory_space<semaphore_mem>>, %arg16: memref<!tpu.dma_semaphore, #tpu.memory_space<semaphore_mem>>) attributes {dimension_semantics = [#tpu.dimension_semantics<core_parallel>, #tpu.dimension_semantics<subcore_parallel>], iteration_bounds = array<i64: 2, 16>, scalar_prefetch = 0 : i64, scratch_operands = 8 : i64, tpu.core_type = #tpu.core_type<sc_vector_subcore>, window_params = [{transform_indices = #map}, {transform_indices = #map}, {transform_indices = #map1}, {transform_indices = #map1}, {transform_indices = #map1}, {transform_indices = #map1}, {transform_indices = #map1}]} {
    %mul3A = arith.constant 2 : i32
    %mul3A_0 = arith.muli %arg1, %mul3A : i32
    %add3A = arith.addi %mul3A_0, %arg0 : i32
    %mul3A_1 = arith.constant 512 : i32
    %mul3A_2 = arith.muli %add3A, %mul3A_1 : i32
    "tpu.region"() ({
      %run_scoped3A = tpu.sem_alloc : memref<!tpu.dma_semaphore, #tpu.memory_space<semaphore_mem>>
      %dma_start3A = tpu.memref_slice %arg2[%mul3A_2] : memref<16384xi32, #tpu.memory_space<hbm>> -> memref<512xi32, #tpu.memory_space<hbm>>
      %dma_start3A_55 = tpu.memref_slice %arg2[%mul3A_2] : memref<16384xi32, #tpu.memory_space<hbm>> -> memref<512xi32, #tpu.memory_space<hbm>>
      tpu.enqueue_dma source(%dma_start3A_55 : memref<512xi32, #tpu.memory_space<hbm>>) target(%arg9 : memref<512xi32, #tpu.memory_space<vmem>>) target_semaphore(%run_scoped3A : memref<!tpu.dma_semaphore, #tpu.memory_space<semaphore_mem>>)
      %dma_wait3A_56 = tpu.memref_slice %arg2[%mul3A_2] : memref<16384xi32, #tpu.memory_space<hbm>> -> memref<512xi32, #tpu.memory_space<hbm>>
      %dma_wait3A_57 = tpu.memref_slice %arg2[%mul3A_2] : memref<16384xi32, #tpu.memory_space<hbm>> -> memref<512xi32, #tpu.memory_space<hbm>>
      tpu.wait_dma2 semaphore(%run_scoped3A : memref<!tpu.dma_semaphore, #tpu.memory_space<semaphore_mem>>) src(%dma_wait3A_57 : memref<512xi32, #tpu.memory_space<hbm>>) dst(%arg9 : memref<512xi32, #tpu.memory_space<vmem>>)
      tpu.yield
    }) : () -> ()
    "tpu.region"() ({
      %run_scoped3A = tpu.sem_alloc : memref<!tpu.dma_semaphore, #tpu.memory_space<semaphore_mem>>
      %dma_start3A = tpu.memref_slice %arg3[%mul3A_2] : memref<16384xi32, #tpu.memory_space<hbm>> -> memref<512xi32, #tpu.memory_space<hbm>>
      %dma_start3A_55 = tpu.memref_slice %arg3[%mul3A_2] : memref<16384xi32, #tpu.memory_space<hbm>> -> memref<512xi32, #tpu.memory_space<hbm>>
      tpu.enqueue_dma source(%dma_start3A_55 : memref<512xi32, #tpu.memory_space<hbm>>) target(%arg10 : memref<512xi32, #tpu.memory_space<vmem>>) target_semaphore(%run_scoped3A : memref<!tpu.dma_semaphore, #tpu.memory_space<semaphore_mem>>)
      %dma_wait3A_56 = tpu.memref_slice %arg3[%mul3A_2] : memref<16384xi32, #tpu.memory_space<hbm>> -> memref<512xi32, #tpu.memory_space<hbm>>
      %dma_wait3A_57 = tpu.memref_slice %arg3[%mul3A_2] : memref<16384xi32, #tpu.memory_space<hbm>> -> memref<512xi32, #tpu.memory_space<hbm>>
      tpu.wait_dma2 semaphore(%run_scoped3A : memref<!tpu.dma_semaphore, #tpu.memory_space<semaphore_mem>>) src(%dma_wait3A_57 : memref<512xi32, #tpu.memory_space<hbm>>) dst(%arg10 : memref<512xi32, #tpu.memory_space<vmem>>)
      tpu.yield
    }) : () -> ()
    %iota3A = tpu.iota {dimensions = array<i32: 0>} : vector<16xi32>
    %shift_right_arithmetic3A = arith.constant 2 : i32
    %shift_right_arithmetic3A_3 = vector.broadcast %shift_right_arithmetic3A : i32 to vector<16xi32>
    %shift_right_arithmetic3A_4 = arith.shrsi %iota3A, %shift_right_arithmetic3A_3 : vector<16xi32>
    %and3A = arith.constant 1 : i32
    %and3A_5 = vector.broadcast %and3A : i32 to vector<16xi32>
    %and3A_6 = arith.andi %iota3A, %and3A_5 : vector<16xi32>
    %eq3A = arith.constant 0 : i32
    %eq3A_7 = vector.broadcast %eq3A : i32 to vector<16xi32>
    %eq3A_8 = arith.cmpi eq, %and3A_6, %eq3A_7 : vector<16xi32>
    %and3A_9 = arith.constant 3 : i32
    %and3A_10 = vector.broadcast %and3A_9 : i32 to vector<16xi32>
    %and3A_11 = arith.andi %iota3A, %and3A_10 : vector<16xi32>
    %mul3A_12 = arith.constant 16 : i32
    %mul3A_13 = vector.broadcast %mul3A_12 : i32 to vector<16xi32>
    %mul3A_14 = arith.muli %and3A_11, %mul3A_13 : vector<16xi32>
    %scan3A = arith.constant 0 : i32
    %scan3A_15 = arith.constant 0 : i32
    %scan3A_16 = arith.constant 32 : i32
    %scan3A_17 = arith.addi %scan3A_15, %scan3A_16 : i32
    %scan3A_18 = arith.constant 1 : i32
    scf.for %scan3A_55 = %scan3A_15 to %scan3A_17 step %scan3A_18  : i32 {
      %mul3A_56 = arith.constant 16 : i32
      %mul3A_57 = arith.muli %scan3A_55, %mul3A_56 : i32
      %get3A = arith.index_cast %mul3A_57 : i32 to index
      %get3A_58 = tpu.vector_load %arg9[%get3A] {strides = array<i32>} : memref<512xi32, #tpu.memory_space<vmem>>, vector<16xi32>,
      %mul3A_59 = arith.constant 16 : i32
      %mul3A_60 = arith.muli %scan3A_55, %mul3A_59 : i32
      %get3A_61 = arith.index_cast %mul3A_60 : i32 to index
      %get3A_62 = tpu.vector_load %arg10[%get3A_61] {strides = array<i32>} : memref<512xi32, #tpu.memory_space<vmem>>, vector<16xi32>,
      %slice3A = vector.extract_strided_slice %get3A_58 {offsets = [0], sizes = [1], strides = [1]} : vector<16xi32> to vector<1xi32>
      %squeeze3A = vector.extract %slice3A[0] : i32 from vector<1xi32>
      %mul3A_63 = arith.constant 16 : i32
      %mul3A_64 = arith.muli %scan3A_55, %mul3A_63 : i32
      %add3A_65 = arith.constant 0 : i32
      %add3A_66 = arith.addi %mul3A_64, %add3A_65 : i32
      %swap3A = arith.index_cast %add3A_66 : i32 to index
      %swap3A_67 = memref.load %arg13[%swap3A] : memref<512xi32, #tpu.memory_space<smem>>
      memref.store %squeeze3A, %arg13[%swap3A] : memref<512xi32, #tpu.memory_space<smem>>
      %slice3A_68 = vector.extract_strided_slice %get3A_62 {offsets = [0], sizes = [1], strides = [1]} : vector<16xi32> to vector<1xi32>
      %squeeze3A_69 = vector.extract %slice3A_68[0] : i32 from vector<1xi32>
      %mul3A_70 = arith.constant 16 : i32
      %mul3A_71 = arith.muli %scan3A_55, %mul3A_70 : i32
      %add3A_72 = arith.constant 0 : i32
      %add3A_73 = arith.addi %mul3A_71, %add3A_72 : i32
      %swap3A_74 = arith.index_cast %add3A_73 : i32 to index
      %swap3A_75 = memref.load %arg14[%swap3A_74] : memref<512xi32, #tpu.memory_space<smem>>
      memref.store %squeeze3A_69, %arg14[%swap3A_74] : memref<512xi32, #tpu.memory_space<smem>>
      %slice3A_76 = vector.extract_strided_slice %get3A_58 {offsets = [1], sizes = [1], strides = [1]} : vector<16xi32> to vector<1xi32>
      %squeeze3A_77 = vector.extract %slice3A_76[0] : i32 from vector<1xi32>
      %mul3A_78 = arith.constant 16 : i32
      %mul3A_79 = arith.muli %scan3A_55, %mul3A_78 : i32
      %add3A_80 = arith.constant 1 : i32
      %add3A_81 = arith.addi %mul3A_79, %add3A_80 : i32
      %swap3A_82 = arith.index_cast %add3A_81 : i32 to index
      %swap3A_83 = memref.load %arg13[%swap3A_82] : memref<512xi32, #tpu.memory_space<smem>>
      memref.store %squeeze3A_77, %arg13[%swap3A_82] : memref<512xi32, #tpu.memory_space<smem>>
      %slice3A_84 = vector.extract_strided_slice %get3A_62 {offsets = [1], sizes = [1], strides = [1]} : vector<16xi32> to vector<1xi32>
      %squeeze3A_85 = vector.extract %slice3A_84[0] : i32 from vector<1xi32>
      %mul3A_86 = arith.constant 16 : i32
      %mul3A_87 = arith.muli %scan3A_55, %mul3A_86 : i32
      %add3A_88 = arith.constant 1 : i32
      %add3A_89 = arith.addi %mul3A_87, %add3A_88 : i32
      %swap3A_90 = arith.index_cast %add3A_89 : i32 to index
      %swap3A_91 = memref.load %arg14[%swap3A_90] : memref<512xi32, #tpu.memory_space<smem>>
      memref.store %squeeze3A_85, %arg14[%swap3A_90] : memref<512xi32, #tpu.memory_space<smem>>
      %slice3A_92 = vector.extract_strided_slice %get3A_58 {offsets = [2], sizes = [1], strides = [1]} : vector<16xi32> to vector<1xi32>
      %squeeze3A_93 = vector.extract %slice3A_92[0] : i32 from vector<1xi32>
      %mul3A_94 = arith.constant 16 : i32
      %mul3A_95 = arith.muli %scan3A_55, %mul3A_94 : i32
      %add3A_96 = arith.constant 2 : i32
      %add3A_97 = arith.addi %mul3A_95, %add3A_96 : i32
      %swap3A_98 = arith.index_cast %add3A_97 : i32 to index
      %swap3A_99 = memref.load %arg13[%swap3A_98] : memref<512xi32, #tpu.memory_space<smem>>
      memref.store %squeeze3A_93, %arg13[%swap3A_98] : memref<512xi32, #tpu.memory_space<smem>>
      %slice3A_100 = vector.extract_strided_slice %get3A_62 {offsets = [2], sizes = [1], strides = [1]} : vector<16xi32> to vector<1xi32>
      %squeeze3A_101 = vector.extract %slice3A_100[0] : i32 from vector<1xi32>
      %mul3A_102 = arith.constant 16 : i32
      %mul3A_103 = arith.muli %scan3A_55, %mul3A_102 : i32
      %add3A_104 = arith.constant 2 : i32
      %add3A_105 = arith.addi %mul3A_103, %add3A_104 : i32
      %swap3A_106 = arith.index_cast %add3A_105 : i32 to index
      %swap3A_107 = memref.load %arg14[%swap3A_106] : memref<512xi32, #tpu.memory_space<smem>>
      memref.store %squeeze3A_101, %arg14[%swap3A_106] : memref<512xi32, #tpu.memory_space<smem>>
      %slice3A_108 = vector.extract_strided_slice %get3A_58 {offsets = [3], sizes = [1], strides = [1]} : vector<16xi32> to vector<1xi32>
      %squeeze3A_109 = vector.extract %slice3A_108[0] : i32 from vector<1xi32>
      %mul3A_110 = arith.constant 16 : i32
      %mul3A_111 = arith.muli %scan3A_55, %mul3A_110 : i32
      %add3A_112 = arith.constant 3 : i32
      %add3A_113 = arith.addi %mul3A_111, %add3A_112 : i32
      %swap3A_114 = arith.index_cast %add3A_113 : i32 to index
      %swap3A_115 = memref.load %arg13[%swap3A_114] : memref<512xi32, #tpu.memory_space<smem>>
      memref.store %squeeze3A_109, %arg13[%swap3A_114] : memref<512xi32, #tpu.memory_space<smem>>
      %slice3A_116 = vector.extract_strided_slice %get3A_62 {offsets = [3], sizes = [1], strides = [1]} : vector<16xi32> to vector<1xi32>
      %squeeze3A_117 = vector.extract %slice3A_116[0] : i32 from vector<1xi32>
      %mul3A_118 = arith.constant 16 : i32
      %mul3A_119 = arith.muli %scan3A_55, %mul3A_118 : i32
      %add3A_120 = arith.constant 3 : i32
      %add3A_121 = arith.addi %mul3A_119, %add3A_120 : i32
      %swap3A_122 = arith.index_cast %add3A_121 : i32 to index
      %swap3A_123 = memref.load %arg14[%swap3A_122] : memref<512xi32, #tpu.memory_space<smem>>
      memref.store %squeeze3A_117, %arg14[%swap3A_122] : memref<512xi32, #tpu.memory_space<smem>>
      %slice3A_124 = vector.extract_strided_slice %get3A_58 {offsets = [4], sizes = [1], strides = [1]} : vector<16xi32> to vector<1xi32>
      %squeeze3A_125 = vector.extract %slice3A_124[0] : i32 from vector<1xi32>
      %mul3A_126 = arith.constant 16 : i32
      %mul3A_127 = arith.muli %scan3A_55, %mul3A_126 : i32
      %add3A_128 = arith.constant 4 : i32
      %add3A_129 = arith.addi %mul3A_127, %add3A_128 : i32
      %swap3A_130 = arith.index_cast %add3A_129 : i32 to index
      %swap3A_131 = memref.load %arg13[%swap3A_130] : memref<512xi32, #tpu.memory_space<smem>>
      memref.store %squeeze3A_125, %arg13[%swap3A_130] : memref<512xi32, #tpu.memory_space<smem>>
      %slice3A_132 = vector.extract_strided_slice %get3A_62 {offsets = [4], sizes = [1], strides = [1]} : vector<16xi32> to vector<1xi32>
      %squeeze3A_133 = vector.extract %slice3A_132[0] : i32 from vector<1xi32>
      %mul3A_134 = arith.constant 16 : i32
      %mul3A_135 = arith.muli %scan3A_55, %mul3A_134 : i32
      %add3A_136 = arith.constant 4 : i32
      %add3A_137 = arith.addi %mul3A_135, %add3A_136 : i32
      %swap3A_138 = arith.index_cast %add3A_137 : i32 to index
      %swap3A_139 = memref.load %arg14[%swap3A_138] : memref<512xi32, #tpu.memory_space<smem>>
      memref.store %squeeze3A_133, %arg14[%swap3A_138] : memref<512xi32, #tpu.memory_space<smem>>
      %slice3A_140 = vector.extract_strided_slice %get3A_58 {offsets = [5], sizes = [1], strides = [1]} : vector<16xi32> to vector<1xi32>
      %squeeze3A_141 = vector.extract %slice3A_140[0] : i32 from vector<1xi32>
      %mul3A_142 = arith.constant 16 : i32
      %mul3A_143 = arith.muli %scan3A_55, %mul3A_142 : i32
      %add3A_144 = arith.constant 5 : i32
      %add3A_145 = arith.addi %mul3A_143, %add3A_144 : i32
      %swap3A_146 = arith.index_cast %add3A_145 : i32 to index
      %swap3A_147 = memref.load %arg13[%swap3A_146] : memref<512xi32, #tpu.memory_space<smem>>
      memref.store %squeeze3A_141, %arg13[%swap3A_146] : memref<512xi32, #tpu.memory_space<smem>>
      %slice3A_148 = vector.extract_strided_slice %get3A_62 {offsets = [5], sizes = [1], strides = [1]} : vector<16xi32> to vector<1xi32>
      %squeeze3A_149 = vector.extract %slice3A_148[0] : i32 from vector<1xi32>
      %mul3A_150 = arith.constant 16 : i32
      %mul3A_151 = arith.muli %scan3A_55, %mul3A_150 : i32
      %add3A_152 = arith.constant 5 : i32
      %add3A_153 = arith.addi %mul3A_151, %add3A_152 : i32
      %swap3A_154 = arith.index_cast %add3A_153 : i32 to index
      %swap3A_155 = memref.load %arg14[%swap3A_154] : memref<512xi32, #tpu.memory_space<smem>>
      memref.store %squeeze3A_149, %arg14[%swap3A_154] : memref<512xi32, #tpu.memory_space<smem>>
      %slice3A_156 = vector.extract_strided_slice %get3A_58 {offsets = [6], sizes = [1], strides = [1]} : vector<16xi32> to vector<1xi32>
      %squeeze3A_157 = vector.extract %slice3A_156[0] : i32 from vector<1xi32>
      %mul3A_158 = arith.constant 16 : i32
      %mul3A_159 = arith.muli %scan3A_55, %mul3A_158 : i32
      %add3A_160 = arith.constant 6 : i32
      %add3A_161 = arith.addi %mul3A_159, %add3A_160 : i32
      %swap3A_162 = arith.index_cast %add3A_161 : i32 to index
      %swap3A_163 = memref.load %arg13[%swap3A_162] : memref<512xi32, #tpu.memory_space<smem>>
      memref.store %squeeze3A_157, %arg13[%swap3A_162] : memref<512xi32, #tpu.memory_space<smem>>
      %slice3A_164 = vector.extract_strided_slice %get3A_62 {offsets = [6], sizes = [1], strides = [1]} : vector<16xi32> to vector<1xi32>
      %squeeze3A_165 = vector.extract %slice3A_164[0] : i32 from vector<1xi32>
      %mul3A_166 = arith.constant 16 : i32
      %mul3A_167 = arith.muli %scan3A_55, %mul3A_166 : i32
      %add3A_168 = arith.constant 6 : i32
      %add3A_169 = arith.addi %mul3A_167, %add3A_168 : i32
      %swap3A_170 = arith.index_cast %add3A_169 : i32 to index
      %swap3A_171 = memref.load %arg14[%swap3A_170] : memref<512xi32, #tpu.memory_space<smem>>
      memref.store %squeeze3A_165, %arg14[%swap3A_170] : memref<512xi32, #tpu.memory_space<smem>>
      %slice3A_172 = vector.extract_strided_slice %get3A_58 {offsets = [7], sizes = [1], strides = [1]} : vector<16xi32> to vector<1xi32>
      %squeeze3A_173 = vector.extract %slice3A_172[0] : i32 from vector<1xi32>
      %mul3A_174 = arith.constant 16 : i32
      %mul3A_175 = arith.muli %scan3A_55, %mul3A_174 : i32
      %add3A_176 = arith.constant 7 : i32
      %add3A_177 = arith.addi %mul3A_175, %add3A_176 : i32
      %swap3A_178 = arith.index_cast %add3A_177 : i32 to index
      %swap3A_179 = memref.load %arg13[%swap3A_178] : memref<512xi32, #tpu.memory_space<smem>>
      memref.store %squeeze3A_173, %arg13[%swap3A_178] : memref<512xi32, #tpu.memory_space<smem>>
      %slice3A_180 = vector.extract_strided_slice %get3A_62 {offsets = [7], sizes = [1], strides = [1]} : vector<16xi32> to vector<1xi32>
      %squeeze3A_181 = vector.extract %slice3A_180[0] : i32 from vector<1xi32>
      %mul3A_182 = arith.constant 16 : i32
      %mul3A_183 = arith.muli %scan3A_55, %mul3A_182 : i32
      %add3A_184 = arith.constant 7 : i32
      %add3A_185 = arith.addi %mul3A_183, %add3A_184 : i32
      %swap3A_186 = arith.index_cast %add3A_185 : i32 to index
      %swap3A_187 = memref.load %arg14[%swap3A_186] : memref<512xi32, #tpu.memory_space<smem>>
      memref.store %squeeze3A_181, %arg14[%swap3A_186] : memref<512xi32, #tpu.memory_space<smem>>
      %slice3A_188 = vector.extract_strided_slice %get3A_58 {offsets = [8], sizes = [1], strides = [1]} : vector<16xi32> to vector<1xi32>
      %squeeze3A_189 = vector.extract %slice3A_188[0] : i32 from vector<1xi32>
      %mul3A_190 = arith.constant 16 : i32
      %mul3A_191 = arith.muli %scan3A_55, %mul3A_190 : i32
      %add3A_192 = arith.constant 8 : i32
      %add3A_193 = arith.addi %mul3A_191, %add3A_192 : i32
      %swap3A_194 = arith.index_cast %add3A_193 : i32 to index
      %swap3A_195 = memref.load %arg13[%swap3A_194] : memref<512xi32, #tpu.memory_space<smem>>
      memref.store %squeeze3A_189, %arg13[%swap3A_194] : memref<512xi32, #tpu.memory_space<smem>>
      %slice3A_196 = vector.extract_strided_slice %get3A_62 {offsets = [8], sizes = [1], strides = [1]} : vector<16xi32> to vector<1xi32>
      %squeeze3A_197 = vector.extract %slice3A_196[0] : i32 from vector<1xi32>
      %mul3A_198 = arith.constant 16 : i32
      %mul3A_199 = arith.muli %scan3A_55, %mul3A_198 : i32
      %add3A_200 = arith.constant 8 : i32
      %add3A_201 = arith.addi %mul3A_199, %add3A_200 : i32
      %swap3A_202 = arith.index_cast %add3A_201 : i32 to index
      %swap3A_203 = memref.load %arg14[%swap3A_202] : memref<512xi32, #tpu.memory_space<smem>>
      memref.store %squeeze3A_197, %arg14[%swap3A_202] : memref<512xi32, #tpu.memory_space<smem>>
      %slice3A_204 = vector.extract_strided_slice %get3A_58 {offsets = [9], sizes = [1], strides = [1]} : vector<16xi32> to vector<1xi32>
      %squeeze3A_205 = vector.extract %slice3A_204[0] : i32 from vector<1xi32>
      %mul3A_206 = arith.constant 16 : i32
      %mul3A_207 = arith.muli %scan3A_55, %mul3A_206 : i32
      %add3A_208 = arith.constant 9 : i32
      %add3A_209 = arith.addi %mul3A_207, %add3A_208 : i32
      %swap3A_210 = arith.index_cast %add3A_209 : i32 to index
      %swap3A_211 = memref.load %arg13[%swap3A_210] : memref<512xi32, #tpu.memory_space<smem>>
      memref.store %squeeze3A_205, %arg13[%swap3A_210] : memref<512xi32, #tpu.memory_space<smem>>
      %slice3A_212 = vector.extract_strided_slice %get3A_62 {offsets = [9], sizes = [1], strides = [1]} : vector<16xi32> to vector<1xi32>
      %squeeze3A_213 = vector.extract %slice3A_212[0] : i32 from vector<1xi32>
      %mul3A_214 = arith.constant 16 : i32
      %mul3A_215 = arith.muli %scan3A_55, %mul3A_214 : i32
      %add3A_216 = arith.constant 9 : i32
      %add3A_217 = arith.addi %mul3A_215, %add3A_216 : i32
      %swap3A_218 = arith.index_cast %add3A_217 : i32 to index
      %swap3A_219 = memref.load %arg14[%swap3A_218] : memref<512xi32, #tpu.memory_space<smem>>
      memref.store %squeeze3A_213, %arg14[%swap3A_218] : memref<512xi32, #tpu.memory_space<smem>>
      %slice3A_220 = vector.extract_strided_slice %get3A_58 {offsets = [10], sizes = [1], strides = [1]} : vector<16xi32> to vector<1xi32>
      %squeeze3A_221 = vector.extract %slice3A_220[0] : i32 from vector<1xi32>
      %mul3A_222 = arith.constant 16 : i32
      %mul3A_223 = arith.muli %scan3A_55, %mul3A_222 : i32
      %add3A_224 = arith.constant 10 : i32
      %add3A_225 = arith.addi %mul3A_223, %add3A_224 : i32
      %swap3A_226 = arith.index_cast %add3A_225 : i32 to index
      %swap3A_227 = memref.load %arg13[%swap3A_226] : memref<512xi32, #tpu.memory_space<smem>>
      memref.store %squeeze3A_221, %arg13[%swap3A_226] : memref<512xi32, #tpu.memory_space<smem>>
      %slice3A_228 = vector.extract_strided_slice %get3A_62 {offsets = [10], sizes = [1], strides = [1]} : vector<16xi32> to vector<1xi32>
      %squeeze3A_229 = vector.extract %slice3A_228[0] : i32 from vector<1xi32>
      %mul3A_230 = arith.constant 16 : i32
      %mul3A_231 = arith.muli %scan3A_55, %mul3A_230 : i32
      %add3A_232 = arith.constant 10 : i32
      %add3A_233 = arith.addi %mul3A_231, %add3A_232 : i32
      %swap3A_234 = arith.index_cast %add3A_233 : i32 to index
      %swap3A_235 = memref.load %arg14[%swap3A_234] : memref<512xi32, #tpu.memory_space<smem>>
      memref.store %squeeze3A_229, %arg14[%swap3A_234] : memref<512xi32, #tpu.memory_space<smem>>
      %slice3A_236 = vector.extract_strided_slice %get3A_58 {offsets = [11], sizes = [1], strides = [1]} : vector<16xi32> to vector<1xi32>
      %squeeze3A_237 = vector.extract %slice3A_236[0] : i32 from vector<1xi32>
      %mul3A_238 = arith.constant 16 : i32
      %mul3A_239 = arith.muli %scan3A_55, %mul3A_238 : i32
      %add3A_240 = arith.constant 11 : i32
      %add3A_241 = arith.addi %mul3A_239, %add3A_240 : i32
      %swap3A_242 = arith.index_cast %add3A_241 : i32 to index
      %swap3A_243 = memref.load %arg13[%swap3A_242] : memref<512xi32, #tpu.memory_space<smem>>
      memref.store %squeeze3A_237, %arg13[%swap3A_242] : memref<512xi32, #tpu.memory_space<smem>>
      %slice3A_244 = vector.extract_strided_slice %get3A_62 {offsets = [11], sizes = [1], strides = [1]} : vector<16xi32> to vector<1xi32>
      %squeeze3A_245 = vector.extract %slice3A_244[0] : i32 from vector<1xi32>
      %mul3A_246 = arith.constant 16 : i32
      %mul3A_247 = arith.muli %scan3A_55, %mul3A_246 : i32
      %add3A_248 = arith.constant 11 : i32
      %add3A_249 = arith.addi %mul3A_247, %add3A_248 : i32
      %swap3A_250 = arith.index_cast %add3A_249 : i32 to index
      %swap3A_251 = memref.load %arg14[%swap3A_250] : memref<512xi32, #tpu.memory_space<smem>>
      memref.store %squeeze3A_245, %arg14[%swap3A_250] : memref<512xi32, #tpu.memory_space<smem>>
      %slice3A_252 = vector.extract_strided_slice %get3A_58 {offsets = [12], sizes = [1], strides = [1]} : vector<16xi32> to vector<1xi32>
      %squeeze3A_253 = vector.extract %slice3A_252[0] : i32 from vector<1xi32>
      %mul3A_254 = arith.constant 16 : i32
      %mul3A_255 = arith.muli %scan3A_55, %mul3A_254 : i32
      %add3A_256 = arith.constant 12 : i32
      %add3A_257 = arith.addi %mul3A_255, %add3A_256 : i32
      %swap3A_258 = arith.index_cast %add3A_257 : i32 to index
      %swap3A_259 = memref.load %arg13[%swap3A_258] : memref<512xi32, #tpu.memory_space<smem>>
      memref.store %squeeze3A_253, %arg13[%swap3A_258] : memref<512xi32, #tpu.memory_space<smem>>
      %slice3A_260 = vector.extract_strided_slice %get3A_62 {offsets = [12], sizes = [1], strides = [1]} : vector<16xi32> to vector<1xi32>
      %squeeze3A_261 = vector.extract %slice3A_260[0] : i32 from vector<1xi32>
      %mul3A_262 = arith.constant 16 : i32
      %mul3A_263 = arith.muli %scan3A_55, %mul3A_262 : i32
      %add3A_264 = arith.constant 12 : i32
      %add3A_265 = arith.addi %mul3A_263, %add3A_264 : i32
      %swap3A_266 = arith.index_cast %add3A_265 : i32 to index
      %swap3A_267 = memref.load %arg14[%swap3A_266] : memref<512xi32, #tpu.memory_space<smem>>
      memref.store %squeeze3A_261, %arg14[%swap3A_266] : memref<512xi32, #tpu.memory_space<smem>>
      %slice3A_268 = vector.extract_strided_slice %get3A_58 {offsets = [13], sizes = [1], strides = [1]} : vector<16xi32> to vector<1xi32>
      %squeeze3A_269 = vector.extract %slice3A_268[0] : i32 from vector<1xi32>
      %mul3A_270 = arith.constant 16 : i32
      %mul3A_271 = arith.muli %scan3A_55, %mul3A_270 : i32
      %add3A_272 = arith.constant 13 : i32
      %add3A_273 = arith.addi %mul3A_271, %add3A_272 : i32
      %swap3A_274 = arith.index_cast %add3A_273 : i32 to index
      %swap3A_275 = memref.load %arg13[%swap3A_274] : memref<512xi32, #tpu.memory_space<smem>>
      memref.store %squeeze3A_269, %arg13[%swap3A_274] : memref<512xi32, #tpu.memory_space<smem>>
      %slice3A_276 = vector.extract_strided_slice %get3A_62 {offsets = [13], sizes = [1], strides = [1]} : vector<16xi32> to vector<1xi32>
      %squeeze3A_277 = vector.extract %slice3A_276[0] : i32 from vector<1xi32>
      %mul3A_278 = arith.constant 16 : i32
      %mul3A_279 = arith.muli %scan3A_55, %mul3A_278 : i32
      %add3A_280 = arith.constant 13 : i32
      %add3A_281 = arith.addi %mul3A_279, %add3A_280 : i32
      %swap3A_282 = arith.index_cast %add3A_281 : i32 to index
      %swap3A_283 = memref.load %arg14[%swap3A_282] : memref<512xi32, #tpu.memory_space<smem>>
      memref.store %squeeze3A_277, %arg14[%swap3A_282] : memref<512xi32, #tpu.memory_space<smem>>
      %slice3A_284 = vector.extract_strided_slice %get3A_58 {offsets = [14], sizes = [1], strides = [1]} : vector<16xi32> to vector<1xi32>
      %squeeze3A_285 = vector.extract %slice3A_284[0] : i32 from vector<1xi32>
      %mul3A_286 = arith.constant 16 : i32
      %mul3A_287 = arith.muli %scan3A_55, %mul3A_286 : i32
      %add3A_288 = arith.constant 14 : i32
      %add3A_289 = arith.addi %mul3A_287, %add3A_288 : i32
      %swap3A_290 = arith.index_cast %add3A_289 : i32 to index
      %swap3A_291 = memref.load %arg13[%swap3A_290] : memref<512xi32, #tpu.memory_space<smem>>
      memref.store %squeeze3A_285, %arg13[%swap3A_290] : memref<512xi32, #tpu.memory_space<smem>>
      %slice3A_292 = vector.extract_strided_slice %get3A_62 {offsets = [14], sizes = [1], strides = [1]} : vector<16xi32> to vector<1xi32>
      %squeeze3A_293 = vector.extract %slice3A_292[0] : i32 from vector<1xi32>
      %mul3A_294 = arith.constant 16 : i32
      %mul3A_295 = arith.muli %scan3A_55, %mul3A_294 : i32
      %add3A_296 = arith.constant 14 : i32
      %add3A_297 = arith.addi %mul3A_295, %add3A_296 : i32
      %swap3A_298 = arith.index_cast %add3A_297 : i32 to index
      %swap3A_299 = memref.load %arg14[%swap3A_298] : memref<512xi32, #tpu.memory_space<smem>>
      memref.store %squeeze3A_293, %arg14[%swap3A_298] : memref<512xi32, #tpu.memory_space<smem>>
      %slice3A_300 = vector.extract_strided_slice %get3A_58 {offsets = [15], sizes = [1], strides = [1]} : vector<16xi32> to vector<1xi32>
      %squeeze3A_301 = vector.extract %slice3A_300[0] : i32 from vector<1xi32>
      %mul3A_302 = arith.constant 16 : i32
      %mul3A_303 = arith.muli %scan3A_55, %mul3A_302 : i32
      %add3A_304 = arith.constant 15 : i32
      %add3A_305 = arith.addi %mul3A_303, %add3A_304 : i32
      %swap3A_306 = arith.index_cast %add3A_305 : i32 to index
      %swap3A_307 = memref.load %arg13[%swap3A_306] : memref<512xi32, #tpu.memory_space<smem>>
      memref.store %squeeze3A_301, %arg13[%swap3A_306] : memref<512xi32, #tpu.memory_space<smem>>
      %slice3A_308 = vector.extract_strided_slice %get3A_62 {offsets = [15], sizes = [1], strides = [1]} : vector<16xi32> to vector<1xi32>
      %squeeze3A_309 = vector.extract %slice3A_308[0] : i32 from vector<1xi32>
      %mul3A_310 = arith.constant 16 : i32
      %mul3A_311 = arith.muli %scan3A_55, %mul3A_310 : i32
      %add3A_312 = arith.constant 15 : i32
      %add3A_313 = arith.addi %mul3A_311, %add3A_312 : i32
      %swap3A_314 = arith.index_cast %add3A_313 : i32 to index
      %swap3A_315 = memref.load %arg14[%swap3A_314] : memref<512xi32, #tpu.memory_space<smem>>
      memref.store %squeeze3A_309, %arg14[%swap3A_314] : memref<512xi32, #tpu.memory_space<smem>>
    }
    %scan3A_19 = arith.constant 32 : i32
    %scan3A_20 = arith.constant 0 : i32
    %scan3A_21 = arith.constant 0 : i32
    %scan3A_22 = arith.constant 130 : i32
    %scan3A_23 = arith.addi %scan3A_21, %scan3A_22 : i32
    %scan3A_24 = arith.constant 1 : i32
    scf.for %scan3A_55 = %scan3A_21 to %scan3A_23 step %scan3A_24  : i32 {
      %lt3A = arith.constant 128 : i32
      %lt3A_56 = arith.cmpi slt, %scan3A_55, %lt3A : i32
      %convert_element_type3A = arith.extui %lt3A_56 : i1 to i32
      %cond3A = arith.constant 0 : i32
      %cond3A_57 = arith.cmpi ne, %convert_element_type3A, %cond3A : i32
      scf.if %cond3A_57 {
        %jit3A = arith.constant 3 : i32
        %eq3A_62 = arith.constant 0 : i32
        %eq3A_63 = arith.cmpi eq, %jit3A, %eq3A_62 : i32
        %jit3A_64 = arith.constant 1 : i32
        %select_n3A = arith.select %eq3A_63, %jit3A_64, %jit3A : i32
        %rem3A = arith.remsi %scan3A_55, %select_n3A : i32
        %ne3A = arith.constant 0 : i32
        %ne3A_65 = arith.cmpi ne, %rem3A, %ne3A : i32
        %lt3A_66 = arith.constant 0 : i32
        %lt3A_67 = arith.cmpi slt, %rem3A, %lt3A_66 : i32
        %lt3A_68 = arith.constant 0 : i32
        %lt3A_69 = arith.cmpi slt, %select_n3A, %lt3A_68 : i32
        %ne3A_70 = arith.xori %lt3A_67, %lt3A_69 : i1
        %and3A_71 = arith.andi %ne3A_70, %ne3A_65 : i1
        %add3A_72 = arith.addi %rem3A, %select_n3A : i32
        %select_n3A_73 = arith.select %and3A_71, %add3A_72, %rem3A : i32
        %mul3A_74 = arith.constant 4 : i32
        %mul3A_75 = arith.muli %scan3A_55, %mul3A_74 : i32
        %add3A_76 = arith.constant 0 : i32
        %add3A_77 = arith.addi %mul3A_75, %add3A_76 : i32
        %get3A = arith.index_cast %add3A_77 : i32 to index
        %get3A_78 = memref.load %arg13[%get3A] : memref<512xi32, #tpu.memory_space<smem>>
        %mul3A_79 = arith.constant 4 : i32
        %mul3A_80 = arith.muli %scan3A_55, %mul3A_79 : i32
        %add3A_81 = arith.constant 0 : i32
        %add3A_82 = arith.addi %mul3A_80, %add3A_81 : i32
        %get3A_83 = arith.index_cast %add3A_82 : i32 to index
        %get3A_84 = memref.load %arg14[%get3A_83] : memref<512xi32, #tpu.memory_space<smem>>
        %shift_right_arithmetic3A_85 = arith.constant 7 : i32
        %shift_right_arithmetic3A_86 = arith.shrsi %get3A_78, %shift_right_arithmetic3A_85 : i32
        %shift_left3A = arith.constant 7 : i32
        %shift_left3A_87 = arith.shli %shift_right_arithmetic3A_86, %shift_left3A : i32
        %multiple_of3A = tpu.assume_multiple %shift_left3A_87, 128 : i32
        %shift_right_arithmetic3A_88 = arith.constant 7 : i32
        %shift_right_arithmetic3A_89 = arith.shrsi %get3A_84, %shift_right_arithmetic3A_88 : i32
        %shift_left3A_90 = arith.constant 7 : i32
        %shift_left3A_91 = arith.shli %shift_right_arithmetic3A_89, %shift_left3A_90 : i32
        %multiple_of3A_92 = tpu.assume_multiple %shift_left3A_91, 128 : i32
        %dma_start3A = arith.constant 0 : i32
        %dma_start3A_93 = arith.constant 0 : i32
        %dma_start3A_94 = arith.constant 0 : i32
        %dma_start3A_95 = tpu.memref_slice %arg12[%select_n3A_73, %dma_start3A, %dma_start3A_93, %dma_start3A_94] : memref<3x16x16x128xf32, #tpu.memory_space<vmem>> -> memref<1x1x16x128xf32, #tpu.memory_space<vmem>>
        %dma_start3A_96 = tpu.memref_squeeze %dma_start3A_95 : memref<1x1x16x128xf32, #tpu.memory_space<vmem>> -> memref<16x128xf32, #tpu.memory_space<vmem>>
        %dma_start3A_97 = arith.constant 0 : i32
        %dma_start3A_98 = tpu.memref_slice %arg4[%dma_start3A_97, %multiple_of3A] : memref<16x1000000xf32, #tpu.memory_space<hbm>> -> memref<16x128xf32, #tpu.memory_space<hbm>>
        %dma_start3A_99 = arith.constant 0 : i32
        %dma_start3A_100 = arith.constant 0 : i32
        %dma_start3A_101 = tpu.memref_slice %arg12[%select_n3A_73, %dma_start3A, %dma_start3A_99, %dma_start3A_100] : memref<3x16x16x128xf32, #tpu.memory_space<vmem>> -> memref<1x1x16x128xf32, #tpu.memory_space<vmem>>
        %dma_start3A_102 = tpu.memref_squeeze %dma_start3A_101 : memref<1x1x16x128xf32, #tpu.memory_space<vmem>> -> memref<16x128xf32, #tpu.memory_space<vmem>>
        %dma_start3A_103 = arith.constant 0 : i32
        %dma_start3A_104 = tpu.memref_slice %arg4[%dma_start3A_103, %multiple_of3A] : memref<16x1000000xf32, #tpu.memory_space<hbm>> -> memref<16x128xf32, #tpu.memory_space<hbm>>
        tpu.enqueue_dma source(%dma_start3A_104 : memref<16x128xf32, #tpu.memory_space<hbm>>) target(%dma_start3A_102 : memref<16x128xf32, #tpu.memory_space<vmem>>) target_semaphore(%arg15 : memref<!tpu.dma_semaphore, #tpu.memory_space<semaphore_mem>>)
        %dma_start3A_105 = arith.constant 1 : i32
        %dma_start3A_106 = arith.constant 0 : i32
        %dma_start3A_107 = arith.constant 0 : i32
        %dma_start3A_108 = tpu.memref_slice %arg12[%select_n3A_73, %dma_start3A_105, %dma_start3A_106, %dma_start3A_107] : memref<3x16x16x128xf32, #tpu.memory_space<vmem>> -> memref<1x1x16x128xf32, #tpu.memory_space<vmem>>
        %dma_start3A_109 = tpu.memref_squeeze %dma_start3A_108 : memref<1x1x16x128xf32, #tpu.memory_space<vmem>> -> memref<16x128xf32, #tpu.memory_space<vmem>>
        %dma_start3A_110 = arith.constant 0 : i32
        %dma_start3A_111 = tpu.memref_slice %arg5[%dma_start3A_110, %multiple_of3A_92] : memref<16x1000000xf32, #tpu.memory_space<hbm>> -> memref<16x128xf32, #tpu.memory_space<hbm>>
        %dma_start3A_112 = arith.constant 0 : i32
        %dma_start3A_113 = arith.constant 0 : i32
        %dma_start3A_114 = tpu.memref_slice %arg12[%select_n3A_73, %dma_start3A_105, %dma_start3A_112, %dma_start3A_113] : memref<3x16x16x128xf32, #tpu.memory_space<vmem>> -> memref<1x1x16x128xf32, #tpu.memory_space<vmem>>
        %dma_start3A_115 = tpu.memref_squeeze %dma_start3A_114 : memref<1x1x16x128xf32, #tpu.memory_space<vmem>> -> memref<16x128xf32, #tpu.memory_space<vmem>>
        %dma_start3A_116 = arith.constant 0 : i32
        %dma_start3A_117 = tpu.memref_slice %arg5[%dma_start3A_116, %multiple_of3A_92] : memref<16x1000000xf32, #tpu.memory_space<hbm>> -> memref<16x128xf32, #tpu.memory_space<hbm>>
        tpu.enqueue_dma source(%dma_start3A_117 : memref<16x128xf32, #tpu.memory_space<hbm>>) target(%dma_start3A_115 : memref<16x128xf32, #tpu.memory_space<vmem>>) target_semaphore(%arg15 : memref<!tpu.dma_semaphore, #tpu.memory_space<semaphore_mem>>)
        %dma_start3A_118 = arith.constant 2 : i32
        %dma_start3A_119 = arith.constant 0 : i32
        %dma_start3A_120 = arith.constant 0 : i32
        %dma_start3A_121 = tpu.memref_slice %arg12[%select_n3A_73, %dma_start3A_118, %dma_start3A_119, %dma_start3A_120] : memref<3x16x16x128xf32, #tpu.memory_space<vmem>> -> memref<1x1x16x128xf32, #tpu.memory_space<vmem>>
        %dma_start3A_122 = tpu.memref_squeeze %dma_start3A_121 : memref<1x1x16x128xf32, #tpu.memory_space<vmem>> -> memref<16x128xf32, #tpu.memory_space<vmem>>
        %dma_start3A_123 = arith.constant 0 : i32
        %dma_start3A_124 = tpu.memref_slice %arg6[%dma_start3A_123, %multiple_of3A] : memref<16x1000000xf32, #tpu.memory_space<hbm>> -> memref<16x128xf32, #tpu.memory_space<hbm>>
        %dma_start3A_125 = arith.constant 0 : i32
        %dma_start3A_126 = arith.constant 0 : i32
        %dma_start3A_127 = tpu.memref_slice %arg12[%select_n3A_73, %dma_start3A_118, %dma_start3A_125, %dma_start3A_126] : memref<3x16x16x128xf32, #tpu.memory_space<vmem>> -> memref<1x1x16x128xf32, #tpu.memory_space<vmem>>
        %dma_start3A_128 = tpu.memref_squeeze %dma_start3A_127 : memref<1x1x16x128xf32, #tpu.memory_space<vmem>> -> memref<16x128xf32, #tpu.memory_space<vmem>>
        %dma_start3A_129 = arith.constant 0 : i32
        %dma_start3A_130 = tpu.memref_slice %arg6[%dma_start3A_129, %multiple_of3A] : memref<16x1000000xf32, #tpu.memory_space<hbm>> -> memref<16x128xf32, #tpu.memory_space<hbm>>
        tpu.enqueue_dma source(%dma_start3A_130 : memref<16x128xf32, #tpu.memory_space<hbm>>) target(%dma_start3A_128 : memref<16x128xf32, #tpu.memory_space<vmem>>) target_semaphore(%arg15 : memref<!tpu.dma_semaphore, #tpu.memory_space<semaphore_mem>>)
        %dma_start3A_131 = arith.constant 3 : i32
        %dma_start3A_132 = arith.constant 0 : i32
        %dma_start3A_133 = arith.constant 0 : i32
        %dma_start3A_134 = tpu.memref_slice %arg12[%select_n3A_73, %dma_start3A_131, %dma_start3A_132, %dma_start3A_133] : memref<3x16x16x128xf32, #tpu.memory_space<vmem>> -> memref<1x1x16x128xf32, #tpu.memory_space<vmem>>
        %dma_start3A_135 = tpu.memref_squeeze %dma_start3A_134 : memref<1x1x16x128xf32, #tpu.memory_space<vmem>> -> memref<16x128xf32, #tpu.memory_space<vmem>>
        %dma_start3A_136 = arith.constant 0 : i32
        %dma_start3A_137 = tpu.memref_slice %arg7[%dma_start3A_136, %multiple_of3A_92] : memref<16x1000000xf32, #tpu.memory_space<hbm>> -> memref<16x128xf32, #tpu.memory_space<hbm>>
        %dma_start3A_138 = arith.constant 0 : i32
        %dma_start3A_139 = arith.constant 0 : i32
        %dma_start3A_140 = tpu.memref_slice %arg12[%select_n3A_73, %dma_start3A_131, %dma_start3A_138, %dma_start3A_139] : memref<3x16x16x128xf32, #tpu.memory_space<vmem>> -> memref<1x1x16x128xf32, #tpu.memory_space<vmem>>
        %dma_start3A_141 = tpu.memref_squeeze %dma_start3A_140 : memref<1x1x16x128xf32, #tpu.memory_space<vmem>> -> memref<16x128xf32, #tpu.memory_space<vmem>>
        %dma_start3A_142 = arith.constant 0 : i32
        %dma_start3A_143 = tpu.memref_slice %arg7[%dma_start3A_142, %multiple_of3A_92] : memref<16x1000000xf32, #tpu.memory_space<hbm>> -> memref<16x128xf32, #tpu.memory_space<hbm>>
        tpu.enqueue_dma source(%dma_start3A_143 : memref<16x128xf32, #tpu.memory_space<hbm>>) target(%dma_start3A_141 : memref<16x128xf32, #tpu.memory_space<vmem>>) target_semaphore(%arg15 : memref<!tpu.dma_semaphore, #tpu.memory_space<semaphore_mem>>)
        %mul3A_144 = arith.constant 4 : i32
        %mul3A_145 = arith.muli %scan3A_55, %mul3A_144 : i32
        %add3A_146 = arith.constant 1 : i32
        %add3A_147 = arith.addi %mul3A_145, %add3A_146 : i32
        %get3A_148 = arith.index_cast %add3A_147 : i32 to index
        %get3A_149 = memref.load %arg13[%get3A_148] : memref<512xi32, #tpu.memory_space<smem>>
        %mul3A_150 = arith.constant 4 : i32
        %mul3A_151 = arith.muli %scan3A_55, %mul3A_150 : i32
        %add3A_152 = arith.constant 1 : i32
        %add3A_153 = arith.addi %mul3A_151, %add3A_152 : i32
        %get3A_154 = arith.index_cast %add3A_153 : i32 to index
        %get3A_155 = memref.load %arg14[%get3A_154] : memref<512xi32, #tpu.memory_space<smem>>
        %shift_right_arithmetic3A_156 = arith.constant 7 : i32
        %shift_right_arithmetic3A_157 = arith.shrsi %get3A_149, %shift_right_arithmetic3A_156 : i32
        %shift_left3A_158 = arith.constant 7 : i32
        %shift_left3A_159 = arith.shli %shift_right_arithmetic3A_157, %shift_left3A_158 : i32
        %multiple_of3A_160 = tpu.assume_multiple %shift_left3A_159, 128 : i32
        %shift_right_arithmetic3A_161 = arith.constant 7 : i32
        %shift_right_arithmetic3A_162 = arith.shrsi %get3A_155, %shift_right_arithmetic3A_161 : i32
        %shift_left3A_163 = arith.constant 7 : i32
        %shift_left3A_164 = arith.shli %shift_right_arithmetic3A_162, %shift_left3A_163 : i32
        %multiple_of3A_165 = tpu.assume_multiple %shift_left3A_164, 128 : i32
        %dma_start3A_166 = arith.constant 4 : i32
        %dma_start3A_167 = arith.constant 0 : i32
        %dma_start3A_168 = arith.constant 0 : i32
        %dma_start3A_169 = tpu.memref_slice %arg12[%select_n3A_73, %dma_start3A_166, %dma_start3A_167, %dma_start3A_168] : memref<3x16x16x128xf32, #tpu.memory_space<vmem>> -> memref<1x1x16x128xf32, #tpu.memory_space<vmem>>
        %dma_start3A_170 = tpu.memref_squeeze %dma_start3A_169 : memref<1x1x16x128xf32, #tpu.memory_space<vmem>> -> memref<16x128xf32, #tpu.memory_space<vmem>>
        %dma_start3A_171 = arith.constant 0 : i32
        %dma_start3A_172 = tpu.memref_slice %arg4[%dma_start3A_171, %multiple_of3A_160] : memref<16x1000000xf32, #tpu.memory_space<hbm>> -> memref<16x128xf32, #tpu.memory_space<hbm>>
        %dma_start3A_173 = arith.constant 0 : i32
        %dma_start3A_174 = arith.constant 0 : i32
        %dma_start3A_175 = tpu.memref_slice %arg12[%select_n3A_73, %dma_start3A_166, %dma_start3A_173, %dma_start3A_174] : memref<3x16x16x128xf32, #tpu.memory_space<vmem>> -> memref<1x1x16x128xf32, #tpu.memory_space<vmem>>
        %dma_start3A_176 = tpu.memref_squeeze %dma_start3A_175 : memref<1x1x16x128xf32, #tpu.memory_space<vmem>> -> memref<16x128xf32, #tpu.memory_space<vmem>>
        %dma_start3A_177 = arith.constant 0 : i32
        %dma_start3A_178 = tpu.memref_slice %arg4[%dma_start3A_177, %multiple_of3A_160] : memref<16x1000000xf32, #tpu.memory_space<hbm>> -> memref<16x128xf32, #tpu.memory_space<hbm>>
        tpu.enqueue_dma source(%dma_start3A_178 : memref<16x128xf32, #tpu.memory_space<hbm>>) target(%dma_start3A_176 : memref<16x128xf32, #tpu.memory_space<vmem>>) target_semaphore(%arg15 : memref<!tpu.dma_semaphore, #tpu.memory_space<semaphore_mem>>)
        %dma_start3A_179 = arith.constant 5 : i32
        %dma_start3A_180 = arith.constant 0 : i32
        %dma_start3A_181 = arith.constant 0 : i32
        %dma_start3A_182 = tpu.memref_slice %arg12[%select_n3A_73, %dma_start3A_179, %dma_start3A_180, %dma_start3A_181] : memref<3x16x16x128xf32, #tpu.memory_space<vmem>> -> memref<1x1x16x128xf32, #tpu.memory_space<vmem>>
        %dma_start3A_183 = tpu.memref_squeeze %dma_start3A_182 : memref<1x1x16x128xf32, #tpu.memory_space<vmem>> -> memref<16x128xf32, #tpu.memory_space<vmem>>
        %dma_start3A_184 = arith.constant 0 : i32
        %dma_start3A_185 = tpu.memref_slice %arg5[%dma_start3A_184, %multiple_of3A_165] : memref<16x1000000xf32, #tpu.memory_space<hbm>> -> memref<16x128xf32, #tpu.memory_space<hbm>>
        %dma_start3A_186 = arith.constant 0 : i32
        %dma_start3A_187 = arith.constant 0 : i32
        %dma_start3A_188 = tpu.memref_slice %arg12[%select_n3A_73, %dma_start3A_179, %dma_start3A_186, %dma_start3A_187] : memref<3x16x16x128xf32, #tpu.memory_space<vmem>> -> memref<1x1x16x128xf32, #tpu.memory_space<vmem>>
        %dma_start3A_189 = tpu.memref_squeeze %dma_start3A_188 : memref<1x1x16x128xf32, #tpu.memory_space<vmem>> -> memref<16x128xf32, #tpu.memory_space<vmem>>
        %dma_start3A_190 = arith.constant 0 : i32
        %dma_start3A_191 = tpu.memref_slice %arg5[%dma_start3A_190, %multiple_of3A_165] : memref<16x1000000xf32, #tpu.memory_space<hbm>> -> memref<16x128xf32, #tpu.memory_space<hbm>>
        tpu.enqueue_dma source(%dma_start3A_191 : memref<16x128xf32, #tpu.memory_space<hbm>>) target(%dma_start3A_189 : memref<16x128xf32, #tpu.memory_space<vmem>>) target_semaphore(%arg15 : memref<!tpu.dma_semaphore, #tpu.memory_space<semaphore_mem>>)
        %dma_start3A_192 = arith.constant 6 : i32
        %dma_start3A_193 = arith.constant 0 : i32
        %dma_start3A_194 = arith.constant 0 : i32
        %dma_start3A_195 = tpu.memref_slice %arg12[%select_n3A_73, %dma_start3A_192, %dma_start3A_193, %dma_start3A_194] : memref<3x16x16x128xf32, #tpu.memory_space<vmem>> -> memref<1x1x16x128xf32, #tpu.memory_space<vmem>>
        %dma_start3A_196 = tpu.memref_squeeze %dma_start3A_195 : memref<1x1x16x128xf32, #tpu.memory_space<vmem>> -> memref<16x128xf32, #tpu.memory_space<vmem>>
        %dma_start3A_197 = arith.constant 0 : i32
        %dma_start3A_198 = tpu.memref_slice %arg6[%dma_start3A_197, %multiple_of3A_160] : memref<16x1000000xf32, #tpu.memory_space<hbm>> -> memref<16x128xf32, #tpu.memory_space<hbm>>
        %dma_start3A_199 = arith.constant 0 : i32
        %dma_start3A_200 = arith.constant 0 : i32
        %dma_start3A_201 = tpu.memref_slice %arg12[%select_n3A_73, %dma_start3A_192, %dma_start3A_199, %dma_start3A_200] : memref<3x16x16x128xf32, #tpu.memory_space<vmem>> -> memref<1x1x16x128xf32, #tpu.memory_space<vmem>>
        %dma_start3A_202 = tpu.memref_squeeze %dma_start3A_201 : memref<1x1x16x128xf32, #tpu.memory_space<vmem>> -> memref<16x128xf32, #tpu.memory_space<vmem>>
        %dma_start3A_203 = arith.constant 0 : i32
        %dma_start3A_204 = tpu.memref_slice %arg6[%dma_start3A_203, %multiple_of3A_160] : memref<16x1000000xf32, #tpu.memory_space<hbm>> -> memref<16x128xf32, #tpu.memory_space<hbm>>
        tpu.enqueue_dma source(%dma_start3A_204 : memref<16x128xf32, #tpu.memory_space<hbm>>) target(%dma_start3A_202 : memref<16x128xf32, #tpu.memory_space<vmem>>) target_semaphore(%arg15 : memref<!tpu.dma_semaphore, #tpu.memory_space<semaphore_mem>>)
        %dma_start3A_205 = arith.constant 7 : i32
        %dma_start3A_206 = arith.constant 0 : i32
        %dma_start3A_207 = arith.constant 0 : i32
        %dma_start3A_208 = tpu.memref_slice %arg12[%select_n3A_73, %dma_start3A_205, %dma_start3A_206, %dma_start3A_207] : memref<3x16x16x128xf32, #tpu.memory_space<vmem>> -> memref<1x1x16x128xf32, #tpu.memory_space<vmem>>
        %dma_start3A_209 = tpu.memref_squeeze %dma_start3A_208 : memref<1x1x16x128xf32, #tpu.memory_space<vmem>> -> memref<16x128xf32, #tpu.memory_space<vmem>>
        %dma_start3A_210 = arith.constant 0 : i32
        %dma_start3A_211 = tpu.memref_slice %arg7[%dma_start3A_210, %multiple_of3A_165] : memref<16x1000000xf32, #tpu.memory_space<hbm>> -> memref<16x128xf32, #tpu.memory_space<hbm>>
        %dma_start3A_212 = arith.constant 0 : i32
        %dma_start3A_213 = arith.constant 0 : i32
        %dma_start3A_214 = tpu.memref_slice %arg12[%select_n3A_73, %dma_start3A_205, %dma_start3A_212, %dma_start3A_213] : memref<3x16x16x128xf32, #tpu.memory_space<vmem>> -> memref<1x1x16x128xf32, #tpu.memory_space<vmem>>
        %dma_start3A_215 = tpu.memref_squeeze %dma_start3A_214 : memref<1x1x16x128xf32, #tpu.memory_space<vmem>> -> memref<16x128xf32, #tpu.memory_space<vmem>>
        %dma_start3A_216 = arith.constant 0 : i32
        %dma_start3A_217 = tpu.memref_slice %arg7[%dma_start3A_216, %multiple_of3A_165] : memref<16x1000000xf32, #tpu.memory_space<hbm>> -> memref<16x128xf32, #tpu.memory_space<hbm>>
        tpu.enqueue_dma source(%dma_start3A_217 : memref<16x128xf32, #tpu.memory_space<hbm>>) target(%dma_start3A_215 : memref<16x128xf32, #tpu.memory_space<vmem>>) target_semaphore(%arg15 : memref<!tpu.dma_semaphore, #tpu.memory_space<semaphore_mem>>)
        %mul3A_218 = arith.constant 4 : i32
        %mul3A_219 = arith.muli %scan3A_55, %mul3A_218 : i32
        %add3A_220 = arith.constant 2 : i32
        %add3A_221 = arith.addi %mul3A_219, %add3A_220 : i32
        %get3A_222 = arith.index_cast %add3A_221 : i32 to index
        %get3A_223 = memref.load %arg13[%get3A_222] : memref<512xi32, #tpu.memory_space<smem>>
        %mul3A_224 = arith.constant 4 : i32
        %mul3A_225 = arith.muli %scan3A_55, %mul3A_224 : i32
        %add3A_226 = arith.constant 2 : i32
        %add3A_227 = arith.addi %mul3A_225, %add3A_226 : i32
        %get3A_228 = arith.index_cast %add3A_227 : i32 to index
        %get3A_229 = memref.load %arg14[%get3A_228] : memref<512xi32, #tpu.memory_space<smem>>
        %shift_right_arithmetic3A_230 = arith.constant 7 : i32
        %shift_right_arithmetic3A_231 = arith.shrsi %get3A_223, %shift_right_arithmetic3A_230 : i32
        %shift_left3A_232 = arith.constant 7 : i32
        %shift_left3A_233 = arith.shli %shift_right_arithmetic3A_231, %shift_left3A_232 : i32
        %multiple_of3A_234 = tpu.assume_multiple %shift_left3A_233, 128 : i32
        %shift_right_arithmetic3A_235 = arith.constant 7 : i32
        %shift_right_arithmetic3A_236 = arith.shrsi %get3A_229, %shift_right_arithmetic3A_235 : i32
        %shift_left3A_237 = arith.constant 7 : i32
        %shift_left3A_238 = arith.shli %shift_right_arithmetic3A_236, %shift_left3A_237 : i32
        %multiple_of3A_239 = tpu.assume_multiple %shift_left3A_238, 128 : i32
        %dma_start3A_240 = arith.constant 8 : i32
        %dma_start3A_241 = arith.constant 0 : i32
        %dma_start3A_242 = arith.constant 0 : i32
        %dma_start3A_243 = tpu.memref_slice %arg12[%select_n3A_73, %dma_start3A_240, %dma_start3A_241, %dma_start3A_242] : memref<3x16x16x128xf32, #tpu.memory_space<vmem>> -> memref<1x1x16x128xf32, #tpu.memory_space<vmem>>
        %dma_start3A_244 = tpu.memref_squeeze %dma_start3A_243 : memref<1x1x16x128xf32, #tpu.memory_space<vmem>> -> memref<16x128xf32, #tpu.memory_space<vmem>>
        %dma_start3A_245 = arith.constant 0 : i32
        %dma_start3A_246 = tpu.memref_slice %arg4[%dma_start3A_245, %multiple_of3A_234] : memref<16x1000000xf32, #tpu.memory_space<hbm>> -> memref<16x128xf32, #tpu.memory_space<hbm>>
        %dma_start3A_247 = arith.constant 0 : i32
        %dma_start3A_248 = arith.constant 0 : i32
        %dma_start3A_249 = tpu.memref_slice %arg12[%select_n3A_73, %dma_start3A_240, %dma_start3A_247, %dma_start3A_248] : memref<3x16x16x128xf32, #tpu.memory_space<vmem>> -> memref<1x1x16x128xf32, #tpu.memory_space<vmem>>
        %dma_start3A_250 = tpu.memref_squeeze %dma_start3A_249 : memref<1x1x16x128xf32, #tpu.memory_space<vmem>> -> memref<16x128xf32, #tpu.memory_space<vmem>>
        %dma_start3A_251 = arith.constant 0 : i32
        %dma_start3A_252 = tpu.memref_slice %arg4[%dma_start3A_251, %multiple_of3A_234] : memref<16x1000000xf32, #tpu.memory_space<hbm>> -> memref<16x128xf32, #tpu.memory_space<hbm>>
        tpu.enqueue_dma source(%dma_start3A_252 : memref<16x128xf32, #tpu.memory_space<hbm>>) target(%dma_start3A_250 : memref<16x128xf32, #tpu.memory_space<vmem>>) target_semaphore(%arg15 : memref<!tpu.dma_semaphore, #tpu.memory_space<semaphore_mem>>)
        %dma_start3A_253 = arith.constant 9 : i32
        %dma_start3A_254 = arith.constant 0 : i32
        %dma_start3A_255 = arith.constant 0 : i32
        %dma_start3A_256 = tpu.memref_slice %arg12[%select_n3A_73, %dma_start3A_253, %dma_start3A_254, %dma_start3A_255] : memref<3x16x16x128xf32, #tpu.memory_space<vmem>> -> memref<1x1x16x128xf32, #tpu.memory_space<vmem>>
        %dma_start3A_257 = tpu.memref_squeeze %dma_start3A_256 : memref<1x1x16x128xf32, #tpu.memory_space<vmem>> -> memref<16x128xf32, #tpu.memory_space<vmem>>
        %dma_start3A_258 = arith.constant 0 : i32
        %dma_start3A_259 = tpu.memref_slice %arg5[%dma_start3A_258, %multiple_of3A_239] : memref<16x1000000xf32, #tpu.memory_space<hbm>> -> memref<16x128xf32, #tpu.memory_space<hbm>>
        %dma_start3A_260 = arith.constant 0 : i32
        %dma_start3A_261 = arith.constant 0 : i32
        %dma_start3A_262 = tpu.memref_slice %arg12[%select_n3A_73, %dma_start3A_253, %dma_start3A_260, %dma_start3A_261] : memref<3x16x16x128xf32, #tpu.memory_space<vmem>> -> memref<1x1x16x128xf32, #tpu.memory_space<vmem>>
        %dma_start3A_263 = tpu.memref_squeeze %dma_start3A_262 : memref<1x1x16x128xf32, #tpu.memory_space<vmem>> -> memref<16x128xf32, #tpu.memory_space<vmem>>
        %dma_start3A_264 = arith.constant 0 : i32
        %dma_start3A_265 = tpu.memref_slice %arg5[%dma_start3A_264, %multiple_of3A_239] : memref<16x1000000xf32, #tpu.memory_space<hbm>> -> memref<16x128xf32, #tpu.memory_space<hbm>>
        tpu.enqueue_dma source(%dma_start3A_265 : memref<16x128xf32, #tpu.memory_space<hbm>>) target(%dma_start3A_263 : memref<16x128xf32, #tpu.memory_space<vmem>>) target_semaphore(%arg15 : memref<!tpu.dma_semaphore, #tpu.memory_space<semaphore_mem>>)
        %dma_start3A_266 = arith.constant 10 : i32
        %dma_start3A_267 = arith.constant 0 : i32
        %dma_start3A_268 = arith.constant 0 : i32
        %dma_start3A_269 = tpu.memref_slice %arg12[%select_n3A_73, %dma_start3A_266, %dma_start3A_267, %dma_start3A_268] : memref<3x16x16x128xf32, #tpu.memory_space<vmem>> -> memref<1x1x16x128xf32, #tpu.memory_space<vmem>>
        %dma_start3A_270 = tpu.memref_squeeze %dma_start3A_269 : memref<1x1x16x128xf32, #tpu.memory_space<vmem>> -> memref<16x128xf32, #tpu.memory_space<vmem>>
        %dma_start3A_271 = arith.constant 0 : i32
        %dma_start3A_272 = tpu.memref_slice %arg6[%dma_start3A_271, %multiple_of3A_234] : memref<16x1000000xf32, #tpu.memory_space<hbm>> -> memref<16x128xf32, #tpu.memory_space<hbm>>
        %dma_start3A_273 = arith.constant 0 : i32
        %dma_start3A_274 = arith.constant 0 : i32
        %dma_start3A_275 = tpu.memref_slice %arg12[%select_n3A_73, %dma_start3A_266, %dma_start3A_273, %dma_start3A_274] : memref<3x16x16x128xf32, #tpu.memory_space<vmem>> -> memref<1x1x16x128xf32, #tpu.memory_space<vmem>>
        %dma_start3A_276 = tpu.memref_squeeze %dma_start3A_275 : memref<1x1x16x128xf32, #tpu.memory_space<vmem>> -> memref<16x128xf32, #tpu.memory_space<vmem>>
        %dma_start3A_277 = arith.constant 0 : i32
        %dma_start3A_278 = tpu.memref_slice %arg6[%dma_start3A_277, %multiple_of3A_234] : memref<16x1000000xf32, #tpu.memory_space<hbm>> -> memref<16x128xf32, #tpu.memory_space<hbm>>
        tpu.enqueue_dma source(%dma_start3A_278 : memref<16x128xf32, #tpu.memory_space<hbm>>) target(%dma_start3A_276 : memref<16x128xf32, #tpu.memory_space<vmem>>) target_semaphore(%arg15 : memref<!tpu.dma_semaphore, #tpu.memory_space<semaphore_mem>>)
        %dma_start3A_279 = arith.constant 11 : i32
        %dma_start3A_280 = arith.constant 0 : i32
        %dma_start3A_281 = arith.constant 0 : i32
        %dma_start3A_282 = tpu.memref_slice %arg12[%select_n3A_73, %dma_start3A_279, %dma_start3A_280, %dma_start3A_281] : memref<3x16x16x128xf32, #tpu.memory_space<vmem>> -> memref<1x1x16x128xf32, #tpu.memory_space<vmem>>
        %dma_start3A_283 = tpu.memref_squeeze %dma_start3A_282 : memref<1x1x16x128xf32, #tpu.memory_space<vmem>> -> memref<16x128xf32, #tpu.memory_space<vmem>>
        %dma_start3A_284 = arith.constant 0 : i32
        %dma_start3A_285 = tpu.memref_slice %arg7[%dma_start3A_284, %multiple_of3A_239] : memref<16x1000000xf32, #tpu.memory_space<hbm>> -> memref<16x128xf32, #tpu.memory_space<hbm>>
        %dma_start3A_286 = arith.constant 0 : i32
        %dma_start3A_287 = arith.constant 0 : i32
        %dma_start3A_288 = tpu.memref_slice %arg12[%select_n3A_73, %dma_start3A_279, %dma_start3A_286, %dma_start3A_287] : memref<3x16x16x128xf32, #tpu.memory_space<vmem>> -> memref<1x1x16x128xf32, #tpu.memory_space<vmem>>
        %dma_start3A_289 = tpu.memref_squeeze %dma_start3A_288 : memref<1x1x16x128xf32, #tpu.memory_space<vmem>> -> memref<16x128xf32, #tpu.memory_space<vmem>>
        %dma_start3A_290 = arith.constant 0 : i32
        %dma_start3A_291 = tpu.memref_slice %arg7[%dma_start3A_290, %multiple_of3A_239] : memref<16x1000000xf32, #tpu.memory_space<hbm>> -> memref<16x128xf32, #tpu.memory_space<hbm>>
        tpu.enqueue_dma source(%dma_start3A_291 : memref<16x128xf32, #tpu.memory_space<hbm>>) target(%dma_start3A_289 : memref<16x128xf32, #tpu.memory_space<vmem>>) target_semaphore(%arg15 : memref<!tpu.dma_semaphore, #tpu.memory_space<semaphore_mem>>)
        %mul3A_292 = arith.constant 4 : i32
        %mul3A_293 = arith.muli %scan3A_55, %mul3A_292 : i32
        %add3A_294 = arith.constant 3 : i32
        %add3A_295 = arith.addi %mul3A_293, %add3A_294 : i32
        %get3A_296 = arith.index_cast %add3A_295 : i32 to index
        %get3A_297 = memref.load %arg13[%get3A_296] : memref<512xi32, #tpu.memory_space<smem>>
        %mul3A_298 = arith.constant 4 : i32
        %mul3A_299 = arith.muli %scan3A_55, %mul3A_298 : i32
        %add3A_300 = arith.constant 3 : i32
        %add3A_301 = arith.addi %mul3A_299, %add3A_300 : i32
        %get3A_302 = arith.index_cast %add3A_301 : i32 to index
        %get3A_303 = memref.load %arg14[%get3A_302] : memref<512xi32, #tpu.memory_space<smem>>
        %shift_right_arithmetic3A_304 = arith.constant 7 : i32
        %shift_right_arithmetic3A_305 = arith.shrsi %get3A_297, %shift_right_arithmetic3A_304 : i32
        %shift_left3A_306 = arith.constant 7 : i32
        %shift_left3A_307 = arith.shli %shift_right_arithmetic3A_305, %shift_left3A_306 : i32
        %multiple_of3A_308 = tpu.assume_multiple %shift_left3A_307, 128 : i32
        %shift_right_arithmetic3A_309 = arith.constant 7 : i32
        %shift_right_arithmetic3A_310 = arith.shrsi %get3A_303, %shift_right_arithmetic3A_309 : i32
        %shift_left3A_311 = arith.constant 7 : i32
        %shift_left3A_312 = arith.shli %shift_right_arithmetic3A_310, %shift_left3A_311 : i32
        %multiple_of3A_313 = tpu.assume_multiple %shift_left3A_312, 128 : i32
        %dma_start3A_314 = arith.constant 12 : i32
        %dma_start3A_315 = arith.constant 0 : i32
        %dma_start3A_316 = arith.constant 0 : i32
        %dma_start3A_317 = tpu.memref_slice %arg12[%select_n3A_73, %dma_start3A_314, %dma_start3A_315, %dma_start3A_316] : memref<3x16x16x128xf32, #tpu.memory_space<vmem>> -> memref<1x1x16x128xf32, #tpu.memory_space<vmem>>
        %dma_start3A_318 = tpu.memref_squeeze %dma_start3A_317 : memref<1x1x16x128xf32, #tpu.memory_space<vmem>> -> memref<16x128xf32, #tpu.memory_space<vmem>>
        %dma_start3A_319 = arith.constant 0 : i32
        %dma_start3A_320 = tpu.memref_slice %arg4[%dma_start3A_319, %multiple_of3A_308] : memref<16x1000000xf32, #tpu.memory_space<hbm>> -> memref<16x128xf32, #tpu.memory_space<hbm>>
        %dma_start3A_321 = arith.constant 0 : i32
        %dma_start3A_322 = arith.constant 0 : i32
        %dma_start3A_323 = tpu.memref_slice %arg12[%select_n3A_73, %dma_start3A_314, %dma_start3A_321, %dma_start3A_322] : memref<3x16x16x128xf32, #tpu.memory_space<vmem>> -> memref<1x1x16x128xf32, #tpu.memory_space<vmem>>
        %dma_start3A_324 = tpu.memref_squeeze %dma_start3A_323 : memref<1x1x16x128xf32, #tpu.memory_space<vmem>> -> memref<16x128xf32, #tpu.memory_space<vmem>>
        %dma_start3A_325 = arith.constant 0 : i32
        %dma_start3A_326 = tpu.memref_slice %arg4[%dma_start3A_325, %multiple_of3A_308] : memref<16x1000000xf32, #tpu.memory_space<hbm>> -> memref<16x128xf32, #tpu.memory_space<hbm>>
        tpu.enqueue_dma source(%dma_start3A_326 : memref<16x128xf32, #tpu.memory_space<hbm>>) target(%dma_start3A_324 : memref<16x128xf32, #tpu.memory_space<vmem>>) target_semaphore(%arg15 : memref<!tpu.dma_semaphore, #tpu.memory_space<semaphore_mem>>)
        %dma_start3A_327 = arith.constant 13 : i32
        %dma_start3A_328 = arith.constant 0 : i32
        %dma_start3A_329 = arith.constant 0 : i32
        %dma_start3A_330 = tpu.memref_slice %arg12[%select_n3A_73, %dma_start3A_327, %dma_start3A_328, %dma_start3A_329] : memref<3x16x16x128xf32, #tpu.memory_space<vmem>> -> memref<1x1x16x128xf32, #tpu.memory_space<vmem>>
        %dma_start3A_331 = tpu.memref_squeeze %dma_start3A_330 : memref<1x1x16x128xf32, #tpu.memory_space<vmem>> -> memref<16x128xf32, #tpu.memory_space<vmem>>
        %dma_start3A_332 = arith.constant 0 : i32
        %dma_start3A_333 = tpu.memref_slice %arg5[%dma_start3A_332, %multiple_of3A_313] : memref<16x1000000xf32, #tpu.memory_space<hbm>> -> memref<16x128xf32, #tpu.memory_space<hbm>>
        %dma_start3A_334 = arith.constant 0 : i32
        %dma_start3A_335 = arith.constant 0 : i32
        %dma_start3A_336 = tpu.memref_slice %arg12[%select_n3A_73, %dma_start3A_327, %dma_start3A_334, %dma_start3A_335] : memref<3x16x16x128xf32, #tpu.memory_space<vmem>> -> memref<1x1x16x128xf32, #tpu.memory_space<vmem>>
        %dma_start3A_337 = tpu.memref_squeeze %dma_start3A_336 : memref<1x1x16x128xf32, #tpu.memory_space<vmem>> -> memref<16x128xf32, #tpu.memory_space<vmem>>
        %dma_start3A_338 = arith.constant 0 : i32
        %dma_start3A_339 = tpu.memref_slice %arg5[%dma_start3A_338, %multiple_of3A_313] : memref<16x1000000xf32, #tpu.memory_space<hbm>> -> memref<16x128xf32, #tpu.memory_space<hbm>>
        tpu.enqueue_dma source(%dma_start3A_339 : memref<16x128xf32, #tpu.memory_space<hbm>>) target(%dma_start3A_337 : memref<16x128xf32, #tpu.memory_space<vmem>>) target_semaphore(%arg15 : memref<!tpu.dma_semaphore, #tpu.memory_space<semaphore_mem>>)
        %dma_start3A_340 = arith.constant 14 : i32
        %dma_start3A_341 = arith.constant 0 : i32
        %dma_start3A_342 = arith.constant 0 : i32
        %dma_start3A_343 = tpu.memref_slice %arg12[%select_n3A_73, %dma_start3A_340, %dma_start3A_341, %dma_start3A_342] : memref<3x16x16x128xf32, #tpu.memory_space<vmem>> -> memref<1x1x16x128xf32, #tpu.memory_space<vmem>>
        %dma_start3A_344 = tpu.memref_squeeze %dma_start3A_343 : memref<1x1x16x128xf32, #tpu.memory_space<vmem>> -> memref<16x128xf32, #tpu.memory_space<vmem>>
        %dma_start3A_345 = arith.constant 0 : i32
        %dma_start3A_346 = tpu.memref_slice %arg6[%dma_start3A_345, %multiple_of3A_308] : memref<16x1000000xf32, #tpu.memory_space<hbm>> -> memref<16x128xf32, #tpu.memory_space<hbm>>
        %dma_start3A_347 = arith.constant 0 : i32
        %dma_start3A_348 = arith.constant 0 : i32
        %dma_start3A_349 = tpu.memref_slice %arg12[%select_n3A_73, %dma_start3A_340, %dma_start3A_347, %dma_start3A_348] : memref<3x16x16x128xf32, #tpu.memory_space<vmem>> -> memref<1x1x16x128xf32, #tpu.memory_space<vmem>>
        %dma_start3A_350 = tpu.memref_squeeze %dma_start3A_349 : memref<1x1x16x128xf32, #tpu.memory_space<vmem>> -> memref<16x128xf32, #tpu.memory_space<vmem>>
        %dma_start3A_351 = arith.constant 0 : i32
        %dma_start3A_352 = tpu.memref_slice %arg6[%dma_start3A_351, %multiple_of3A_308] : memref<16x1000000xf32, #tpu.memory_space<hbm>> -> memref<16x128xf32, #tpu.memory_space<hbm>>
        tpu.enqueue_dma source(%dma_start3A_352 : memref<16x128xf32, #tpu.memory_space<hbm>>) target(%dma_start3A_350 : memref<16x128xf32, #tpu.memory_space<vmem>>) target_semaphore(%arg15 : memref<!tpu.dma_semaphore, #tpu.memory_space<semaphore_mem>>)
        %dma_start3A_353 = arith.constant 15 : i32
        %dma_start3A_354 = arith.constant 0 : i32
        %dma_start3A_355 = arith.constant 0 : i32
        %dma_start3A_356 = tpu.memref_slice %arg12[%select_n3A_73, %dma_start3A_353, %dma_start3A_354, %dma_start3A_355] : memref<3x16x16x128xf32, #tpu.memory_space<vmem>> -> memref<1x1x16x128xf32, #tpu.memory_space<vmem>>
        %dma_start3A_357 = tpu.memref_squeeze %dma_start3A_356 : memref<1x1x16x128xf32, #tpu.memory_space<vmem>> -> memref<16x128xf32, #tpu.memory_space<vmem>>
        %dma_start3A_358 = arith.constant 0 : i32
        %dma_start3A_359 = tpu.memref_slice %arg7[%dma_start3A_358, %multiple_of3A_313] : memref<16x1000000xf32, #tpu.memory_space<hbm>> -> memref<16x128xf32, #tpu.memory_space<hbm>>
        %dma_start3A_360 = arith.constant 0 : i32
        %dma_start3A_361 = arith.constant 0 : i32
        %dma_start3A_362 = tpu.memref_slice %arg12[%select_n3A_73, %dma_start3A_353, %dma_start3A_360, %dma_start3A_361] : memref<3x16x16x128xf32, #tpu.memory_space<vmem>> -> memref<1x1x16x128xf32, #tpu.memory_space<vmem>>
        %dma_start3A_363 = tpu.memref_squeeze %dma_start3A_362 : memref<1x1x16x128xf32, #tpu.memory_space<vmem>> -> memref<16x128xf32, #tpu.memory_space<vmem>>
        %dma_start3A_364 = arith.constant 0 : i32
        %dma_start3A_365 = tpu.memref_slice %arg7[%dma_start3A_364, %multiple_of3A_313] : memref<16x1000000xf32, #tpu.memory_space<hbm>> -> memref<16x128xf32, #tpu.memory_space<hbm>>
        tpu.enqueue_dma source(%dma_start3A_365 : memref<16x128xf32, #tpu.memory_space<hbm>>) target(%dma_start3A_363 : memref<16x128xf32, #tpu.memory_space<vmem>>) target_semaphore(%arg15 : memref<!tpu.dma_semaphore, #tpu.memory_space<semaphore_mem>>)
      } else {
      }
      %ge3A = arith.constant 2 : i32
      %ge3A_58 = arith.cmpi sge, %scan3A_55, %ge3A : i32
      %convert_element_type3A_59 = arith.extui %ge3A_58 : i1 to i32
      %cond3A_60 = arith.constant 0 : i32
      %cond3A_61 = arith.cmpi ne, %convert_element_type3A_59, %cond3A_60 : i32
      scf.if %cond3A_61 {
        %sub3A = arith.constant 2 : i32
        %sub3A_62 = arith.subi %scan3A_55, %sub3A : i32
        %jit3A = arith.constant 32 : i32
        %eq3A_63 = arith.constant 0 : i32
        %eq3A_64 = arith.cmpi eq, %jit3A, %eq3A_63 : i32
        %jit3A_65 = arith.constant 1 : i32
        %select_n3A = arith.select %eq3A_64, %jit3A_65, %jit3A : i32
        %rem3A = arith.remsi %sub3A_62, %select_n3A : i32
        %ne3A = arith.constant 0 : i32
        %ne3A_66 = arith.cmpi ne, %rem3A, %ne3A : i32
        %lt3A_67 = arith.constant 0 : i32
        %lt3A_68 = arith.cmpi slt, %rem3A, %lt3A_67 : i32
        %lt3A_69 = arith.constant 0 : i32
        %lt3A_70 = arith.cmpi slt, %select_n3A, %lt3A_69 : i32
        %ne3A_71 = arith.xori %lt3A_68, %lt3A_70 : i1
        %and3A_72 = arith.andi %ne3A_71, %ne3A_66 : i1
        %add3A_73 = arith.addi %rem3A, %select_n3A : i32
        %select_n3A_74 = arith.select %and3A_72, %add3A_73, %rem3A : i32
        %eq3A_75 = arith.constant 0 : i32
        %eq3A_76 = arith.cmpi eq, %select_n3A_74, %eq3A_75 : i32
        %ge3A_77 = arith.constant 64 : i32
        %ge3A_78 = arith.cmpi sge, %sub3A_62, %ge3A_77 : i32
        %and3A_79 = arith.andi %eq3A_76, %ge3A_78 : i1
        %convert_element_type3A_80 = arith.extui %and3A_79 : i1 to i32
        %cond3A_81 = arith.constant 0 : i32
        %cond3A_82 = arith.cmpi ne, %convert_element_type3A_80, %cond3A_81 : i32
        scf.if %cond3A_82 {
          %dma_wait3A_637 = arith.constant 0 : i32
          %dma_wait3A_638 = arith.constant 0 : i32
          %dma_wait3A_639 = arith.constant 0 : i32
          %dma_wait3A_640 = tpu.memref_slice %arg11[%dma_wait3A_637, %dma_wait3A_638, %dma_wait3A_639] : memref<2x64x128xf32, #tpu.memory_space<vmem>> -> memref<1x64x128xf32, #tpu.memory_space<vmem>>
          %dma_wait3A_641 = tpu.memref_squeeze %dma_wait3A_640 : memref<1x64x128xf32, #tpu.memory_space<vmem>> -> memref<64x128xf32, #tpu.memory_space<vmem>>
          %dma_wait3A_642 = arith.constant 0 : i32
          %dma_wait3A_643 = arith.constant 0 : i32
          %dma_wait3A_644 = tpu.memref_slice %arg8[%dma_wait3A_642, %dma_wait3A_643] : memref<64x16384xf32, #tpu.memory_space<hbm>> -> memref<64x128xf32, #tpu.memory_space<hbm>>
          %dma_wait3A_645 = arith.constant 0 : i32
          %dma_wait3A_646 = arith.constant 0 : i32
          %dma_wait3A_647 = tpu.memref_slice %arg8[%dma_wait3A_645, %dma_wait3A_646] : memref<64x16384xf32, #tpu.memory_space<hbm>> -> memref<64x128xf32, #tpu.memory_space<hbm>>
          %dma_wait3A_648 = arith.constant 0 : i32
          %dma_wait3A_649 = arith.constant 0 : i32
          %dma_wait3A_650 = tpu.memref_slice %arg11[%dma_wait3A_637, %dma_wait3A_648, %dma_wait3A_649] : memref<2x64x128xf32, #tpu.memory_space<vmem>> -> memref<1x64x128xf32, #tpu.memory_space<vmem>>
          %dma_wait3A_651 = tpu.memref_squeeze %dma_wait3A_650 : memref<1x64x128xf32, #tpu.memory_space<vmem>> -> memref<64x128xf32, #tpu.memory_space<vmem>>
          tpu.wait_dma2 semaphore(%arg16 : memref<!tpu.dma_semaphore, #tpu.memory_space<semaphore_mem>>) src(%dma_wait3A_651 : memref<64x128xf32, #tpu.memory_space<vmem>>) dst(%dma_wait3A_647 : memref<64x128xf32, #tpu.memory_space<hbm>>)
        } else {
        }
        %jit3A_83 = arith.constant 3 : i32
        %eq3A_84 = arith.constant 0 : i32
        %eq3A_85 = arith.cmpi eq, %jit3A_83, %eq3A_84 : i32
        %jit3A_86 = arith.constant 1 : i32
        %select_n3A_87 = arith.select %eq3A_85, %jit3A_86, %jit3A_83 : i32
        %rem3A_88 = arith.remsi %sub3A_62, %select_n3A_87 : i32
        %ne3A_89 = arith.constant 0 : i32
        %ne3A_90 = arith.cmpi ne, %rem3A_88, %ne3A_89 : i32
        %lt3A_91 = arith.constant 0 : i32
        %lt3A_92 = arith.cmpi slt, %rem3A_88, %lt3A_91 : i32
        %lt3A_93 = arith.constant 0 : i32
        %lt3A_94 = arith.cmpi slt, %select_n3A_87, %lt3A_93 : i32
        %ne3A_95 = arith.xori %lt3A_92, %lt3A_94 : i1
        %and3A_96 = arith.andi %ne3A_95, %ne3A_90 : i1
        %add3A_97 = arith.addi %rem3A_88, %select_n3A_87 : i32
        %select_n3A_98 = arith.select %and3A_96, %add3A_97, %rem3A_88 : i32
        %dma_wait3A_99 = arith.constant 0 : i32
        %dma_wait3A_100 = arith.constant 0 : i32
        %dma_wait3A_101 = arith.constant 0 : i32
        %dma_wait3A_102 = tpu.memref_slice %arg12[%select_n3A_98, %dma_wait3A_99, %dma_wait3A_100, %dma_wait3A_101] : memref<3x16x16x128xf32, #tpu.memory_space<vmem>> -> memref<1x1x16x128xf32, #tpu.memory_space<vmem>>
        %dma_wait3A_103 = tpu.memref_squeeze %dma_wait3A_102 : memref<1x1x16x128xf32, #tpu.memory_space<vmem>> -> memref<16x128xf32, #tpu.memory_space<vmem>>
        %dma_wait3A_104 = arith.constant 0 : i32
        %dma_wait3A_105 = arith.constant 0 : i32
        %dma_wait3A_106 = tpu.memref_slice %arg4[%dma_wait3A_104, %dma_wait3A_105] : memref<16x1000000xf32, #tpu.memory_space<hbm>> -> memref<16x128xf32, #tpu.memory_space<hbm>>
        %dma_wait3A_107 = arith.constant 0 : i32
        %dma_wait3A_108 = arith.constant 0 : i32
        %dma_wait3A_109 = tpu.memref_slice %arg12[%select_n3A_98, %dma_wait3A_99, %dma_wait3A_107, %dma_wait3A_108] : memref<3x16x16x128xf32, #tpu.memory_space<vmem>> -> memref<1x1x16x128xf32, #tpu.memory_space<vmem>>
        %dma_wait3A_110 = tpu.memref_squeeze %dma_wait3A_109 : memref<1x1x16x128xf32, #tpu.memory_space<vmem>> -> memref<16x128xf32, #tpu.memory_space<vmem>>
        %dma_wait3A_111 = arith.constant 0 : i32
        %dma_wait3A_112 = arith.constant 0 : i32
        %dma_wait3A_113 = tpu.memref_slice %arg4[%dma_wait3A_111, %dma_wait3A_112] : memref<16x1000000xf32, #tpu.memory_space<hbm>> -> memref<16x128xf32, #tpu.memory_space<hbm>>
        tpu.wait_dma2 semaphore(%arg15 : memref<!tpu.dma_semaphore, #tpu.memory_space<semaphore_mem>>) src(%dma_wait3A_113 : memref<16x128xf32, #tpu.memory_space<hbm>>) dst(%dma_wait3A_110 : memref<16x128xf32, #tpu.memory_space<vmem>>)
        %dma_wait3A_114 = arith.constant 1 : i32
        %dma_wait3A_115 = arith.constant 0 : i32
        %dma_wait3A_116 = arith.constant 0 : i32
        %dma_wait3A_117 = tpu.memref_slice %arg12[%select_n3A_98, %dma_wait3A_114, %dma_wait3A_115, %dma_wait3A_116] : memref<3x16x16x128xf32, #tpu.memory_space<vmem>> -> memref<1x1x16x128xf32, #tpu.memory_space<vmem>>
        %dma_wait3A_118 = tpu.memref_squeeze %dma_wait3A_117 : memref<1x1x16x128xf32, #tpu.memory_space<vmem>> -> memref<16x128xf32, #tpu.memory_space<vmem>>
        %dma_wait3A_119 = arith.constant 0 : i32
        %dma_wait3A_120 = arith.constant 0 : i32
        %dma_wait3A_121 = tpu.memref_slice %arg4[%dma_wait3A_119, %dma_wait3A_120] : memref<16x1000000xf32, #tpu.memory_space<hbm>> -> memref<16x128xf32, #tpu.memory_space<hbm>>
        %dma_wait3A_122 = arith.constant 0 : i32
        %dma_wait3A_123 = arith.constant 0 : i32
        %dma_wait3A_124 = tpu.memref_slice %arg12[%select_n3A_98, %dma_wait3A_114, %dma_wait3A_122, %dma_wait3A_123] : memref<3x16x16x128xf32, #tpu.memory_space<vmem>> -> memref<1x1x16x128xf32, #tpu.memory_space<vmem>>
        %dma_wait3A_125 = tpu.memref_squeeze %dma_wait3A_124 : memref<1x1x16x128xf32, #tpu.memory_space<vmem>> -> memref<16x128xf32, #tpu.memory_space<vmem>>
        %dma_wait3A_126 = arith.constant 0 : i32
        %dma_wait3A_127 = arith.constant 0 : i32
        %dma_wait3A_128 = tpu.memref_slice %arg4[%dma_wait3A_126, %dma_wait3A_127] : memref<16x1000000xf32, #tpu.memory_space<hbm>> -> memref<16x128xf32, #tpu.memory_space<hbm>>
        tpu.wait_dma2 semaphore(%arg15 : memref<!tpu.dma_semaphore, #tpu.memory_space<semaphore_mem>>) src(%dma_wait3A_128 : memref<16x128xf32, #tpu.memory_space<hbm>>) dst(%dma_wait3A_125 : memref<16x128xf32, #tpu.memory_space<vmem>>)
        %dma_wait3A_129 = arith.constant 2 : i32
        %dma_wait3A_130 = arith.constant 0 : i32
        %dma_wait3A_131 = arith.constant 0 : i32
        %dma_wait3A_132 = tpu.memref_slice %arg12[%select_n3A_98, %dma_wait3A_129, %dma_wait3A_130, %dma_wait3A_131] : memref<3x16x16x128xf32, #tpu.memory_space<vmem>> -> memref<1x1x16x128xf32, #tpu.memory_space<vmem>>
        %dma_wait3A_133 = tpu.memref_squeeze %dma_wait3A_132 : memref<1x1x16x128xf32, #tpu.memory_space<vmem>> -> memref<16x128xf32, #tpu.memory_space<vmem>>
        %dma_wait3A_134 = arith.constant 0 : i32
        %dma_wait3A_135 = arith.constant 0 : i32
        %dma_wait3A_136 = tpu.memref_slice %arg4[%dma_wait3A_134, %dma_wait3A_135] : memref<16x1000000xf32, #tpu.memory_space<hbm>> -> memref<16x128xf32, #tpu.memory_space<hbm>>
        %dma_wait3A_137 = arith.constant 0 : i32
        %dma_wait3A_138 = arith.constant 0 : i32
        %dma_wait3A_139 = tpu.memref_slice %arg12[%select_n3A_98, %dma_wait3A_129, %dma_wait3A_137, %dma_wait3A_138] : memref<3x16x16x128xf32, #tpu.memory_space<vmem>> -> memref<1x1x16x128xf32, #tpu.memory_space<vmem>>
        %dma_wait3A_140 = tpu.memref_squeeze %dma_wait3A_139 : memref<1x1x16x128xf32, #tpu.memory_space<vmem>> -> memref<16x128xf32, #tpu.memory_space<vmem>>
        %dma_wait3A_141 = arith.constant 0 : i32
        %dma_wait3A_142 = arith.constant 0 : i32
        %dma_wait3A_143 = tpu.memref_slice %arg4[%dma_wait3A_141, %dma_wait3A_142] : memref<16x1000000xf32, #tpu.memory_space<hbm>> -> memref<16x128xf32, #tpu.memory_space<hbm>>
        tpu.wait_dma2 semaphore(%arg15 : memref<!tpu.dma_semaphore, #tpu.memory_space<semaphore_mem>>) src(%dma_wait3A_143 : memref<16x128xf32, #tpu.memory_space<hbm>>) dst(%dma_wait3A_140 : memref<16x128xf32, #tpu.memory_space<vmem>>)
        %dma_wait3A_144 = arith.constant 3 : i32
        %dma_wait3A_145 = arith.constant 0 : i32
        %dma_wait3A_146 = arith.constant 0 : i32
        %dma_wait3A_147 = tpu.memref_slice %arg12[%select_n3A_98, %dma_wait3A_144, %dma_wait3A_145, %dma_wait3A_146] : memref<3x16x16x128xf32, #tpu.memory_space<vmem>> -> memref<1x1x16x128xf32, #tpu.memory_space<vmem>>
        %dma_wait3A_148 = tpu.memref_squeeze %dma_wait3A_147 : memref<1x1x16x128xf32, #tpu.memory_space<vmem>> -> memref<16x128xf32, #tpu.memory_space<vmem>>
        %dma_wait3A_149 = arith.constant 0 : i32
        %dma_wait3A_150 = arith.constant 0 : i32
        %dma_wait3A_151 = tpu.memref_slice %arg4[%dma_wait3A_149, %dma_wait3A_150] : memref<16x1000000xf32, #tpu.memory_space<hbm>> -> memref<16x128xf32, #tpu.memory_space<hbm>>
        %dma_wait3A_152 = arith.constant 0 : i32
        %dma_wait3A_153 = arith.constant 0 : i32
        %dma_wait3A_154 = tpu.memref_slice %arg12[%select_n3A_98, %dma_wait3A_144, %dma_wait3A_152, %dma_wait3A_153] : memref<3x16x16x128xf32, #tpu.memory_space<vmem>> -> memref<1x1x16x128xf32, #tpu.memory_space<vmem>>
        %dma_wait3A_155 = tpu.memref_squeeze %dma_wait3A_154 : memref<1x1x16x128xf32, #tpu.memory_space<vmem>> -> memref<16x128xf32, #tpu.memory_space<vmem>>
        %dma_wait3A_156 = arith.constant 0 : i32
        %dma_wait3A_157 = arith.constant 0 : i32
        %dma_wait3A_158 = tpu.memref_slice %arg4[%dma_wait3A_156, %dma_wait3A_157] : memref<16x1000000xf32, #tpu.memory_space<hbm>> -> memref<16x128xf32, #tpu.memory_space<hbm>>
        tpu.wait_dma2 semaphore(%arg15 : memref<!tpu.dma_semaphore, #tpu.memory_space<semaphore_mem>>) src(%dma_wait3A_158 : memref<16x128xf32, #tpu.memory_space<hbm>>) dst(%dma_wait3A_155 : memref<16x128xf32, #tpu.memory_space<vmem>>)
        %dma_wait3A_159 = arith.constant 4 : i32
        %dma_wait3A_160 = arith.constant 0 : i32
        %dma_wait3A_161 = arith.constant 0 : i32
        %dma_wait3A_162 = tpu.memref_slice %arg12[%select_n3A_98, %dma_wait3A_159, %dma_wait3A_160, %dma_wait3A_161] : memref<3x16x16x128xf32, #tpu.memory_space<vmem>> -> memref<1x1x16x128xf32, #tpu.memory_space<vmem>>
        %dma_wait3A_163 = tpu.memref_squeeze %dma_wait3A_162 : memref<1x1x16x128xf32, #tpu.memory_space<vmem>> -> memref<16x128xf32, #tpu.memory_space<vmem>>
        %dma_wait3A_164 = arith.constant 0 : i32
        %dma_wait3A_165 = arith.constant 0 : i32
        %dma_wait3A_166 = tpu.memref_slice %arg4[%dma_wait3A_164, %dma_wait3A_165] : memref<16x1000000xf32, #tpu.memory_space<hbm>> -> memref<16x128xf32, #tpu.memory_space<hbm>>
        %dma_wait3A_167 = arith.constant 0 : i32
        %dma_wait3A_168 = arith.constant 0 : i32
        %dma_wait3A_169 = tpu.memref_slice %arg12[%select_n3A_98, %dma_wait3A_159, %dma_wait3A_167, %dma_wait3A_168] : memref<3x16x16x128xf32, #tpu.memory_space<vmem>> -> memref<1x1x16x128xf32, #tpu.memory_space<vmem>>
        %dma_wait3A_170 = tpu.memref_squeeze %dma_wait3A_169 : memref<1x1x16x128xf32, #tpu.memory_space<vmem>> -> memref<16x128xf32, #tpu.memory_space<vmem>>
        %dma_wait3A_171 = arith.constant 0 : i32
        %dma_wait3A_172 = arith.constant 0 : i32
        %dma_wait3A_173 = tpu.memref_slice %arg4[%dma_wait3A_171, %dma_wait3A_172] : memref<16x1000000xf32, #tpu.memory_space<hbm>> -> memref<16x128xf32, #tpu.memory_space<hbm>>
        tpu.wait_dma2 semaphore(%arg15 : memref<!tpu.dma_semaphore, #tpu.memory_space<semaphore_mem>>) src(%dma_wait3A_173 : memref<16x128xf32, #tpu.memory_space<hbm>>) dst(%dma_wait3A_170 : memref<16x128xf32, #tpu.memory_space<vmem>>)
        %dma_wait3A_174 = arith.constant 5 : i32
        %dma_wait3A_175 = arith.constant 0 : i32
        %dma_wait3A_176 = arith.constant 0 : i32
        %dma_wait3A_177 = tpu.memref_slice %arg12[%select_n3A_98, %dma_wait3A_174, %dma_wait3A_175, %dma_wait3A_176] : memref<3x16x16x128xf32, #tpu.memory_space<vmem>> -> memref<1x1x16x128xf32, #tpu.memory_space<vmem>>
        %dma_wait3A_178 = tpu.memref_squeeze %dma_wait3A_177 : memref<1x1x16x128xf32, #tpu.memory_space<vmem>> -> memref<16x128xf32, #tpu.memory_space<vmem>>
        %dma_wait3A_179 = arith.constant 0 : i32
        %dma_wait3A_180 = arith.constant 0 : i32
        %dma_wait3A_181 = tpu.memref_slice %arg4[%dma_wait3A_179, %dma_wait3A_180] : memref<16x1000000xf32, #tpu.memory_space<hbm>> -> memref<16x128xf32, #tpu.memory_space<hbm>>
        %dma_wait3A_182 = arith.constant 0 : i32
        %dma_wait3A_183 = arith.constant 0 : i32
        %dma_wait3A_184 = tpu.memref_slice %arg12[%select_n3A_98, %dma_wait3A_174, %dma_wait3A_182, %dma_wait3A_183] : memref<3x16x16x128xf32, #tpu.memory_space<vmem>> -> memref<1x1x16x128xf32, #tpu.memory_space<vmem>>
        %dma_wait3A_185 = tpu.memref_squeeze %dma_wait3A_184 : memref<1x1x16x128xf32, #tpu.memory_space<vmem>> -> memref<16x128xf32, #tpu.memory_space<vmem>>
        %dma_wait3A_186 = arith.constant 0 : i32
        %dma_wait3A_187 = arith.constant 0 : i32
        %dma_wait3A_188 = tpu.memref_slice %arg4[%dma_wait3A_186, %dma_wait3A_187] : memref<16x1000000xf32, #tpu.memory_space<hbm>> -> memref<16x128xf32, #tpu.memory_space<hbm>>
        tpu.wait_dma2 semaphore(%arg15 : memref<!tpu.dma_semaphore, #tpu.memory_space<semaphore_mem>>) src(%dma_wait3A_188 : memref<16x128xf32, #tpu.memory_space<hbm>>) dst(%dma_wait3A_185 : memref<16x128xf32, #tpu.memory_space<vmem>>)
        %dma_wait3A_189 = arith.constant 6 : i32
        %dma_wait3A_190 = arith.constant 0 : i32
        %dma_wait3A_191 = arith.constant 0 : i32
        %dma_wait3A_192 = tpu.memref_slice %arg12[%select_n3A_98, %dma_wait3A_189, %dma_wait3A_190, %dma_wait3A_191] : memref<3x16x16x128xf32, #tpu.memory_space<vmem>> -> memref<1x1x16x128xf32, #tpu.memory_space<vmem>>
        %dma_wait3A_193 = tpu.memref_squeeze %dma_wait3A_192 : memref<1x1x16x128xf32, #tpu.memory_space<vmem>> -> memref<16x128xf32, #tpu.memory_space<vmem>>
        %dma_wait3A_194 = arith.constant 0 : i32
        %dma_wait3A_195 = arith.constant 0 : i32
        %dma_wait3A_196 = tpu.memref_slice %arg4[%dma_wait3A_194, %dma_wait3A_195] : memref<16x1000000xf32, #tpu.memory_space<hbm>> -> memref<16x128xf32, #tpu.memory_space<hbm>>
        %dma_wait3A_197 = arith.constant 0 : i32
        %dma_wait3A_198 = arith.constant 0 : i32
        %dma_wait3A_199 = tpu.memref_slice %arg12[%select_n3A_98, %dma_wait3A_189, %dma_wait3A_197, %dma_wait3A_198] : memref<3x16x16x128xf32, #tpu.memory_space<vmem>> -> memref<1x1x16x128xf32, #tpu.memory_space<vmem>>
        %dma_wait3A_200 = tpu.memref_squeeze %dma_wait3A_199 : memref<1x1x16x128xf32, #tpu.memory_space<vmem>> -> memref<16x128xf32, #tpu.memory_space<vmem>>
        %dma_wait3A_201 = arith.constant 0 : i32
        %dma_wait3A_202 = arith.constant 0 : i32
        %dma_wait3A_203 = tpu.memref_slice %arg4[%dma_wait3A_201, %dma_wait3A_202] : memref<16x1000000xf32, #tpu.memory_space<hbm>> -> memref<16x128xf32, #tpu.memory_space<hbm>>
        tpu.wait_dma2 semaphore(%arg15 : memref<!tpu.dma_semaphore, #tpu.memory_space<semaphore_mem>>) src(%dma_wait3A_203 : memref<16x128xf32, #tpu.memory_space<hbm>>) dst(%dma_wait3A_200 : memref<16x128xf32, #tpu.memory_space<vmem>>)
        %dma_wait3A_204 = arith.constant 7 : i32
        %dma_wait3A_205 = arith.constant 0 : i32
        %dma_wait3A_206 = arith.constant 0 : i32
        %dma_wait3A_207 = tpu.memref_slice %arg12[%select_n3A_98, %dma_wait3A_204, %dma_wait3A_205, %dma_wait3A_206] : memref<3x16x16x128xf32, #tpu.memory_space<vmem>> -> memref<1x1x16x128xf32, #tpu.memory_space<vmem>>
        %dma_wait3A_208 = tpu.memref_squeeze %dma_wait3A_207 : memref<1x1x16x128xf32, #tpu.memory_space<vmem>> -> memref<16x128xf32, #tpu.memory_space<vmem>>
        %dma_wait3A_209 = arith.constant 0 : i32
        %dma_wait3A_210 = arith.constant 0 : i32
        %dma_wait3A_211 = tpu.memref_slice %arg4[%dma_wait3A_209, %dma_wait3A_210] : memref<16x1000000xf32, #tpu.memory_space<hbm>> -> memref<16x128xf32, #tpu.memory_space<hbm>>
        %dma_wait3A_212 = arith.constant 0 : i32
        %dma_wait3A_213 = arith.constant 0 : i32
        %dma_wait3A_214 = tpu.memref_slice %arg12[%select_n3A_98, %dma_wait3A_204, %dma_wait3A_212, %dma_wait3A_213] : memref<3x16x16x128xf32, #tpu.memory_space<vmem>> -> memref<1x1x16x128xf32, #tpu.memory_space<vmem>>
        %dma_wait3A_215 = tpu.memref_squeeze %dma_wait3A_214 : memref<1x1x16x128xf32, #tpu.memory_space<vmem>> -> memref<16x128xf32, #tpu.memory_space<vmem>>
        %dma_wait3A_216 = arith.constant 0 : i32
        %dma_wait3A_217 = arith.constant 0 : i32
        %dma_wait3A_218 = tpu.memref_slice %arg4[%dma_wait3A_216, %dma_wait3A_217] : memref<16x1000000xf32, #tpu.memory_space<hbm>> -> memref<16x128xf32, #tpu.memory_space<hbm>>
        tpu.wait_dma2 semaphore(%arg15 : memref<!tpu.dma_semaphore, #tpu.memory_space<semaphore_mem>>) src(%dma_wait3A_218 : memref<16x128xf32, #tpu.memory_space<hbm>>) dst(%dma_wait3A_215 : memref<16x128xf32, #tpu.memory_space<vmem>>)
        %dma_wait3A_219 = arith.constant 8 : i32
        %dma_wait3A_220 = arith.constant 0 : i32
        %dma_wait3A_221 = arith.constant 0 : i32
        %dma_wait3A_222 = tpu.memref_slice %arg12[%select_n3A_98, %dma_wait3A_219, %dma_wait3A_220, %dma_wait3A_221] : memref<3x16x16x128xf32, #tpu.memory_space<vmem>> -> memref<1x1x16x128xf32, #tpu.memory_space<vmem>>
        %dma_wait3A_223 = tpu.memref_squeeze %dma_wait3A_222 : memref<1x1x16x128xf32, #tpu.memory_space<vmem>> -> memref<16x128xf32, #tpu.memory_space<vmem>>
        %dma_wait3A_224 = arith.constant 0 : i32
        %dma_wait3A_225 = arith.constant 0 : i32
        %dma_wait3A_226 = tpu.memref_slice %arg4[%dma_wait3A_224, %dma_wait3A_225] : memref<16x1000000xf32, #tpu.memory_space<hbm>> -> memref<16x128xf32, #tpu.memory_space<hbm>>
        %dma_wait3A_227 = arith.constant 0 : i32
        %dma_wait3A_228 = arith.constant 0 : i32
        %dma_wait3A_229 = tpu.memref_slice %arg12[%select_n3A_98, %dma_wait3A_219, %dma_wait3A_227, %dma_wait3A_228] : memref<3x16x16x128xf32, #tpu.memory_space<vmem>> -> memref<1x1x16x128xf32, #tpu.memory_space<vmem>>
        %dma_wait3A_230 = tpu.memref_squeeze %dma_wait3A_229 : memref<1x1x16x128xf32, #tpu.memory_space<vmem>> -> memref<16x128xf32, #tpu.memory_space<vmem>>
        %dma_wait3A_231 = arith.constant 0 : i32
        %dma_wait3A_232 = arith.constant 0 : i32
        %dma_wait3A_233 = tpu.memref_slice %arg4[%dma_wait3A_231, %dma_wait3A_232] : memref<16x1000000xf32, #tpu.memory_space<hbm>> -> memref<16x128xf32, #tpu.memory_space<hbm>>
        tpu.wait_dma2 semaphore(%arg15 : memref<!tpu.dma_semaphore, #tpu.memory_space<semaphore_mem>>) src(%dma_wait3A_233 : memref<16x128xf32, #tpu.memory_space<hbm>>) dst(%dma_wait3A_230 : memref<16x128xf32, #tpu.memory_space<vmem>>)
        %dma_wait3A_234 = arith.constant 9 : i32
        %dma_wait3A_235 = arith.constant 0 : i32
        %dma_wait3A_236 = arith.constant 0 : i32
        %dma_wait3A_237 = tpu.memref_slice %arg12[%select_n3A_98, %dma_wait3A_234, %dma_wait3A_235, %dma_wait3A_236] : memref<3x16x16x128xf32, #tpu.memory_space<vmem>> -> memref<1x1x16x128xf32, #tpu.memory_space<vmem>>
        %dma_wait3A_238 = tpu.memref_squeeze %dma_wait3A_237 : memref<1x1x16x128xf32, #tpu.memory_space<vmem>> -> memref<16x128xf32, #tpu.memory_space<vmem>>
        %dma_wait3A_239 = arith.constant 0 : i32
        %dma_wait3A_240 = arith.constant 0 : i32
        %dma_wait3A_241 = tpu.memref_slice %arg4[%dma_wait3A_239, %dma_wait3A_240] : memref<16x1000000xf32, #tpu.memory_space<hbm>> -> memref<16x128xf32, #tpu.memory_space<hbm>>
        %dma_wait3A_242 = arith.constant 0 : i32
        %dma_wait3A_243 = arith.constant 0 : i32
        %dma_wait3A_244 = tpu.memref_slice %arg12[%select_n3A_98, %dma_wait3A_234, %dma_wait3A_242, %dma_wait3A_243] : memref<3x16x16x128xf32, #tpu.memory_space<vmem>> -> memref<1x1x16x128xf32, #tpu.memory_space<vmem>>
        %dma_wait3A_245 = tpu.memref_squeeze %dma_wait3A_244 : memref<1x1x16x128xf32, #tpu.memory_space<vmem>> -> memref<16x128xf32, #tpu.memory_space<vmem>>
        %dma_wait3A_246 = arith.constant 0 : i32
        %dma_wait3A_247 = arith.constant 0 : i32
        %dma_wait3A_248 = tpu.memref_slice %arg4[%dma_wait3A_246, %dma_wait3A_247] : memref<16x1000000xf32, #tpu.memory_space<hbm>> -> memref<16x128xf32, #tpu.memory_space<hbm>>
        tpu.wait_dma2 semaphore(%arg15 : memref<!tpu.dma_semaphore, #tpu.memory_space<semaphore_mem>>) src(%dma_wait3A_248 : memref<16x128xf32, #tpu.memory_space<hbm>>) dst(%dma_wait3A_245 : memref<16x128xf32, #tpu.memory_space<vmem>>)
        %dma_wait3A_249 = arith.constant 10 : i32
        %dma_wait3A_250 = arith.constant 0 : i32
        %dma_wait3A_251 = arith.constant 0 : i32
        %dma_wait3A_252 = tpu.memref_slice %arg12[%select_n3A_98, %dma_wait3A_249, %dma_wait3A_250, %dma_wait3A_251] : memref<3x16x16x128xf32, #tpu.memory_space<vmem>> -> memref<1x1x16x128xf32, #tpu.memory_space<vmem>>
        %dma_wait3A_253 = tpu.memref_squeeze %dma_wait3A_252 : memref<1x1x16x128xf32, #tpu.memory_space<vmem>> -> memref<16x128xf32, #tpu.memory_space<vmem>>
        %dma_wait3A_254 = arith.constant 0 : i32
        %dma_wait3A_255 = arith.constant 0 : i32
        %dma_wait3A_256 = tpu.memref_slice %arg4[%dma_wait3A_254, %dma_wait3A_255] : memref<16x1000000xf32, #tpu.memory_space<hbm>> -> memref<16x128xf32, #tpu.memory_space<hbm>>
        %dma_wait3A_257 = arith.constant 0 : i32
        %dma_wait3A_258 = arith.constant 0 : i32
        %dma_wait3A_259 = tpu.memref_slice %arg12[%select_n3A_98, %dma_wait3A_249, %dma_wait3A_257, %dma_wait3A_258] : memref<3x16x16x128xf32, #tpu.memory_space<vmem>> -> memref<1x1x16x128xf32, #tpu.memory_space<vmem>>
        %dma_wait3A_260 = tpu.memref_squeeze %dma_wait3A_259 : memref<1x1x16x128xf32, #tpu.memory_space<vmem>> -> memref<16x128xf32, #tpu.memory_space<vmem>>
        %dma_wait3A_261 = arith.constant 0 : i32
        %dma_wait3A_262 = arith.constant 0 : i32
        %dma_wait3A_263 = tpu.memref_slice %arg4[%dma_wait3A_261, %dma_wait3A_262] : memref<16x1000000xf32, #tpu.memory_space<hbm>> -> memref<16x128xf32, #tpu.memory_space<hbm>>
        tpu.wait_dma2 semaphore(%arg15 : memref<!tpu.dma_semaphore, #tpu.memory_space<semaphore_mem>>) src(%dma_wait3A_263 : memref<16x128xf32, #tpu.memory_space<hbm>>) dst(%dma_wait3A_260 : memref<16x128xf32, #tpu.memory_space<vmem>>)
        %dma_wait3A_264 = arith.constant 11 : i32
        %dma_wait3A_265 = arith.constant 0 : i32
        %dma_wait3A_266 = arith.constant 0 : i32
        %dma_wait3A_267 = tpu.memref_slice %arg12[%select_n3A_98, %dma_wait3A_264, %dma_wait3A_265, %dma_wait3A_266] : memref<3x16x16x128xf32, #tpu.memory_space<vmem>> -> memref<1x1x16x128xf32, #tpu.memory_space<vmem>>
        %dma_wait3A_268 = tpu.memref_squeeze %dma_wait3A_267 : memref<1x1x16x128xf32, #tpu.memory_space<vmem>> -> memref<16x128xf32, #tpu.memory_space<vmem>>
        %dma_wait3A_269 = arith.constant 0 : i32
        %dma_wait3A_270 = arith.constant 0 : i32
        %dma_wait3A_271 = tpu.memref_slice %arg4[%dma_wait3A_269, %dma_wait3A_270] : memref<16x1000000xf32, #tpu.memory_space<hbm>> -> memref<16x128xf32, #tpu.memory_space<hbm>>
        %dma_wait3A_272 = arith.constant 0 : i32
        %dma_wait3A_273 = arith.constant 0 : i32
        %dma_wait3A_274 = tpu.memref_slice %arg12[%select_n3A_98, %dma_wait3A_264, %dma_wait3A_272, %dma_wait3A_273] : memref<3x16x16x128xf32, #tpu.memory_space<vmem>> -> memref<1x1x16x128xf32, #tpu.memory_space<vmem>>
        %dma_wait3A_275 = tpu.memref_squeeze %dma_wait3A_274 : memref<1x1x16x128xf32, #tpu.memory_space<vmem>> -> memref<16x128xf32, #tpu.memory_space<vmem>>
        %dma_wait3A_276 = arith.constant 0 : i32
        %dma_wait3A_277 = arith.constant 0 : i32
        %dma_wait3A_278 = tpu.memref_slice %arg4[%dma_wait3A_276, %dma_wait3A_277] : memref<16x1000000xf32, #tpu.memory_space<hbm>> -> memref<16x128xf32, #tpu.memory_space<hbm>>
        tpu.wait_dma2 semaphore(%arg15 : memref<!tpu.dma_semaphore, #tpu.memory_space<semaphore_mem>>) src(%dma_wait3A_278 : memref<16x128xf32, #tpu.memory_space<hbm>>) dst(%dma_wait3A_275 : memref<16x128xf32, #tpu.memory_space<vmem>>)
        %dma_wait3A_279 = arith.constant 12 : i32
        %dma_wait3A_280 = arith.constant 0 : i32
        %dma_wait3A_281 = arith.constant 0 : i32
        %dma_wait3A_282 = tpu.memref_slice %arg12[%select_n3A_98, %dma_wait3A_279, %dma_wait3A_280, %dma_wait3A_281] : memref<3x16x16x128xf32, #tpu.memory_space<vmem>> -> memref<1x1x16x128xf32, #tpu.memory_space<vmem>>
        %dma_wait3A_283 = tpu.memref_squeeze %dma_wait3A_282 : memref<1x1x16x128xf32, #tpu.memory_space<vmem>> -> memref<16x128xf32, #tpu.memory_space<vmem>>
        %dma_wait3A_284 = arith.constant 0 : i32
        %dma_wait3A_285 = arith.constant 0 : i32
        %dma_wait3A_286 = tpu.memref_slice %arg4[%dma_wait3A_284, %dma_wait3A_285] : memref<16x1000000xf32, #tpu.memory_space<hbm>> -> memref<16x128xf32, #tpu.memory_space<hbm>>
        %dma_wait3A_287 = arith.constant 0 : i32
        %dma_wait3A_288 = arith.constant 0 : i32
        %dma_wait3A_289 = tpu.memref_slice %arg12[%select_n3A_98, %dma_wait3A_279, %dma_wait3A_287, %dma_wait3A_288] : memref<3x16x16x128xf32, #tpu.memory_space<vmem>> -> memref<1x1x16x128xf32, #tpu.memory_space<vmem>>
        %dma_wait3A_290 = tpu.memref_squeeze %dma_wait3A_289 : memref<1x1x16x128xf32, #tpu.memory_space<vmem>> -> memref<16x128xf32, #tpu.memory_space<vmem>>
        %dma_wait3A_291 = arith.constant 0 : i32
        %dma_wait3A_292 = arith.constant 0 : i32
        %dma_wait3A_293 = tpu.memref_slice %arg4[%dma_wait3A_291, %dma_wait3A_292] : memref<16x1000000xf32, #tpu.memory_space<hbm>> -> memref<16x128xf32, #tpu.memory_space<hbm>>
        tpu.wait_dma2 semaphore(%arg15 : memref<!tpu.dma_semaphore, #tpu.memory_space<semaphore_mem>>) src(%dma_wait3A_293 : memref<16x128xf32, #tpu.memory_space<hbm>>) dst(%dma_wait3A_290 : memref<16x128xf32, #tpu.memory_space<vmem>>)
        %dma_wait3A_294 = arith.constant 13 : i32
        %dma_wait3A_295 = arith.constant 0 : i32
        %dma_wait3A_296 = arith.constant 0 : i32
        %dma_wait3A_297 = tpu.memref_slice %arg12[%select_n3A_98, %dma_wait3A_294, %dma_wait3A_295, %dma_wait3A_296] : memref<3x16x16x128xf32, #tpu.memory_space<vmem>> -> memref<1x1x16x128xf32, #tpu.memory_space<vmem>>
        %dma_wait3A_298 = tpu.memref_squeeze %dma_wait3A_297 : memref<1x1x16x128xf32, #tpu.memory_space<vmem>> -> memref<16x128xf32, #tpu.memory_space<vmem>>
        %dma_wait3A_299 = arith.constant 0 : i32
        %dma_wait3A_300 = arith.constant 0 : i32
        %dma_wait3A_301 = tpu.memref_slice %arg4[%dma_wait3A_299, %dma_wait3A_300] : memref<16x1000000xf32, #tpu.memory_space<hbm>> -> memref<16x128xf32, #tpu.memory_space<hbm>>
        %dma_wait3A_302 = arith.constant 0 : i32
        %dma_wait3A_303 = arith.constant 0 : i32
        %dma_wait3A_304 = tpu.memref_slice %arg12[%select_n3A_98, %dma_wait3A_294, %dma_wait3A_302, %dma_wait3A_303] : memref<3x16x16x128xf32, #tpu.memory_space<vmem>> -> memref<1x1x16x128xf32, #tpu.memory_space<vmem>>
        %dma_wait3A_305 = tpu.memref_squeeze %dma_wait3A_304 : memref<1x1x16x128xf32, #tpu.memory_space<vmem>> -> memref<16x128xf32, #tpu.memory_space<vmem>>
        %dma_wait3A_306 = arith.constant 0 : i32
        %dma_wait3A_307 = arith.constant 0 : i32
        %dma_wait3A_308 = tpu.memref_slice %arg4[%dma_wait3A_306, %dma_wait3A_307] : memref<16x1000000xf32, #tpu.memory_space<hbm>> -> memref<16x128xf32, #tpu.memory_space<hbm>>
        tpu.wait_dma2 semaphore(%arg15 : memref<!tpu.dma_semaphore, #tpu.memory_space<semaphore_mem>>) src(%dma_wait3A_308 : memref<16x128xf32, #tpu.memory_space<hbm>>) dst(%dma_wait3A_305 : memref<16x128xf32, #tpu.memory_space<vmem>>)
        %dma_wait3A_309 = arith.constant 14 : i32
        %dma_wait3A_310 = arith.constant 0 : i32
        %dma_wait3A_311 = arith.constant 0 : i32
        %dma_wait3A_312 = tpu.memref_slice %arg12[%select_n3A_98, %dma_wait3A_309, %dma_wait3A_310, %dma_wait3A_311] : memref<3x16x16x128xf32, #tpu.memory_space<vmem>> -> memref<1x1x16x128xf32, #tpu.memory_space<vmem>>
        %dma_wait3A_313 = tpu.memref_squeeze %dma_wait3A_312 : memref<1x1x16x128xf32, #tpu.memory_space<vmem>> -> memref<16x128xf32, #tpu.memory_space<vmem>>
        %dma_wait3A_314 = arith.constant 0 : i32
        %dma_wait3A_315 = arith.constant 0 : i32
        %dma_wait3A_316 = tpu.memref_slice %arg4[%dma_wait3A_314, %dma_wait3A_315] : memref<16x1000000xf32, #tpu.memory_space<hbm>> -> memref<16x128xf32, #tpu.memory_space<hbm>>
        %dma_wait3A_317 = arith.constant 0 : i32
        %dma_wait3A_318 = arith.constant 0 : i32
        %dma_wait3A_319 = tpu.memref_slice %arg12[%select_n3A_98, %dma_wait3A_309, %dma_wait3A_317, %dma_wait3A_318] : memref<3x16x16x128xf32, #tpu.memory_space<vmem>> -> memref<1x1x16x128xf32, #tpu.memory_space<vmem>>
        %dma_wait3A_320 = tpu.memref_squeeze %dma_wait3A_319 : memref<1x1x16x128xf32, #tpu.memory_space<vmem>> -> memref<16x128xf32, #tpu.memory_space<vmem>>
        %dma_wait3A_321 = arith.constant 0 : i32
        %dma_wait3A_322 = arith.constant 0 : i32
        %dma_wait3A_323 = tpu.memref_slice %arg4[%dma_wait3A_321, %dma_wait3A_322] : memref<16x1000000xf32, #tpu.memory_space<hbm>> -> memref<16x128xf32, #tpu.memory_space<hbm>>
        tpu.wait_dma2 semaphore(%arg15 : memref<!tpu.dma_semaphore, #tpu.memory_space<semaphore_mem>>) src(%dma_wait3A_323 : memref<16x128xf32, #tpu.memory_space<hbm>>) dst(%dma_wait3A_320 : memref<16x128xf32, #tpu.memory_space<vmem>>)
        %dma_wait3A_324 = arith.constant 15 : i32
        %dma_wait3A_325 = arith.constant 0 : i32
        %dma_wait3A_326 = arith.constant 0 : i32
        %dma_wait3A_327 = tpu.memref_slice %arg12[%select_n3A_98, %dma_wait3A_324, %dma_wait3A_325, %dma_wait3A_326] : memref<3x16x16x128xf32, #tpu.memory_space<vmem>> -> memref<1x1x16x128xf32, #tpu.memory_space<vmem>>
        %dma_wait3A_328 = tpu.memref_squeeze %dma_wait3A_327 : memref<1x1x16x128xf32, #tpu.memory_space<vmem>> -> memref<16x128xf32, #tpu.memory_space<vmem>>
        %dma_wait3A_329 = arith.constant 0 : i32
        %dma_wait3A_330 = arith.constant 0 : i32
        %dma_wait3A_331 = tpu.memref_slice %arg4[%dma_wait3A_329, %dma_wait3A_330] : memref<16x1000000xf32, #tpu.memory_space<hbm>> -> memref<16x128xf32, #tpu.memory_space<hbm>>
        %dma_wait3A_332 = arith.constant 0 : i32
        %dma_wait3A_333 = arith.constant 0 : i32
        %dma_wait3A_334 = tpu.memref_slice %arg12[%select_n3A_98, %dma_wait3A_324, %dma_wait3A_332, %dma_wait3A_333] : memref<3x16x16x128xf32, #tpu.memory_space<vmem>> -> memref<1x1x16x128xf32, #tpu.memory_space<vmem>>
        %dma_wait3A_335 = tpu.memref_squeeze %dma_wait3A_334 : memref<1x1x16x128xf32, #tpu.memory_space<vmem>> -> memref<16x128xf32, #tpu.memory_space<vmem>>
        %dma_wait3A_336 = arith.constant 0 : i32
        %dma_wait3A_337 = arith.constant 0 : i32
        %dma_wait3A_338 = tpu.memref_slice %arg4[%dma_wait3A_336, %dma_wait3A_337] : memref<16x1000000xf32, #tpu.memory_space<hbm>> -> memref<16x128xf32, #tpu.memory_space<hbm>>
        tpu.wait_dma2 semaphore(%arg15 : memref<!tpu.dma_semaphore, #tpu.memory_space<semaphore_mem>>) src(%dma_wait3A_338 : memref<16x128xf32, #tpu.memory_space<hbm>>) dst(%dma_wait3A_335 : memref<16x128xf32, #tpu.memory_space<vmem>>)
        %jit3A_339 = arith.constant 32 : i32
        %div3A = arith.divsi %sub3A_62, %jit3A_339 : i32
        %sign3A = arith.constant 0 : i32
        %sign3A_340 = arith.cmpi sgt, %sub3A_62, %sign3A : i32
        %sign3A_341 = arith.extui %sign3A_340 : i1 to i32
        %sign3A_342 = arith.constant 0 : i32
        %sign3A_343 = arith.cmpi slt, %sub3A_62, %sign3A_342 : i32
        %sign3A_344 = arith.extui %sign3A_343 : i1 to i32
        %sign3A_345 = arith.subi %sign3A_341, %sign3A_344 : i32
        %sign3A_346 = arith.constant 0 : i32
        %sign3A_347 = arith.cmpi sgt, %jit3A_339, %sign3A_346 : i32
        %sign3A_348 = arith.extui %sign3A_347 : i1 to i32
        %sign3A_349 = arith.constant 0 : i32
        %sign3A_350 = arith.cmpi slt, %jit3A_339, %sign3A_349 : i32
        %sign3A_351 = arith.extui %sign3A_350 : i1 to i32
        %sign3A_352 = arith.subi %sign3A_348, %sign3A_351 : i32
        %ne3A_353 = arith.cmpi ne, %sign3A_345, %sign3A_352 : i32
        %rem3A_354 = arith.remsi %sub3A_62, %jit3A_339 : i32
        %ne3A_355 = arith.constant 0 : i32
        %ne3A_356 = arith.cmpi ne, %rem3A_354, %ne3A_355 : i32
        %and3A_357 = arith.andi %ne3A_353, %ne3A_356 : i1
        %sub3A_358 = arith.constant 1 : i32
        %sub3A_359 = arith.subi %div3A, %sub3A_358 : i32
        %select_n3A_360 = arith.select %and3A_357, %sub3A_359, %div3A : i32
        %and3A_361 = arith.constant 1 : i32
        %and3A_362 = arith.andi %select_n3A_360, %and3A_361 : i32
        %mul3A_363 = arith.constant 4 : i32
        %mul3A_364 = arith.muli %sub3A_62, %mul3A_363 : i32
        %broadcast_in_dim3A = vector.broadcast %mul3A_364 : i32 to vector<16xi32>
        %add3A_365 = arith.addi %broadcast_in_dim3A, %shift_right_arithmetic3A_4 : vector<16xi32>
        %gather3A = tpu.vector_load_idx %arg9[%add3A_365] : memref<512xi32, #tpu.memory_space<vmem>>[vector<16xi32>], vector<16xi32>,
        %gather3A_366 = tpu.vector_load_idx %arg10[%add3A_365] : memref<512xi32, #tpu.memory_space<vmem>>[vector<16xi32>], vector<16xi32>,
        %select_n3A_367 = arith.select %eq3A_8, %gather3A, %gather3A_366 : vector<16xi1>, vector<16xi32>
        %and3A_368 = arith.constant 127 : i32
        %and3A_369 = vector.broadcast %and3A_368 : i32 to vector<16xi32>
        %and3A_370 = arith.andi %select_n3A_367, %and3A_369 : vector<16xi32>
        %mul3A_371 = arith.constant 4 : i32
        %mul3A_372 = arith.muli %sub3A_62, %mul3A_371 : i32
        %and3A_373 = arith.constant 127 : i32
        %and3A_374 = arith.andi %mul3A_372, %and3A_373 : i32
        %broadcast_in_dim3A_375 = vector.broadcast %and3A_374 : i32 to vector<16xi32>
        %add3A_376 = arith.addi %broadcast_in_dim3A_375, %shift_right_arithmetic3A_4 : vector<16xi32>
        %broadcast_in_dim3A_377 = arith.constant 0 : i32
        %broadcast_in_dim3A_378 = vector.broadcast %broadcast_in_dim3A_377 : i32 to vector<16xi32>
        %gather3A_379 = arith.constant 0 : i32
        %gather3A_380 = arith.constant 0 : i32
        %gather3A_381 = arith.constant 0 : i32
        %gather3A_382 = tpu.memref_slice %arg12[%select_n3A_98, %gather3A_379, %gather3A_380, %gather3A_381] : memref<3x16x16x128xf32, #tpu.memory_space<vmem>> -> memref<1x16x16x128xf32, #tpu.memory_space<vmem>>
        %gather3A_383 = tpu.memref_squeeze %gather3A_382 : memref<1x16x16x128xf32, #tpu.memory_space<vmem>> -> memref<16x16x128xf32, #tpu.memory_space<vmem>>
        %gather3A_384 = tpu.vector_load_idx %gather3A_383[%iota3A, %broadcast_in_dim3A_378, %and3A_370] : memref<16x16x128xf32, #tpu.memory_space<vmem>>[vector<16xi32>, vector<16xi32>, vector<16xi32>], vector<16xf32>,
        %add3A_385 = arith.constant 0 : i32
        %add3A_386 = vector.broadcast %add3A_385 : i32 to vector<16xi32>
        %add3A_387 = arith.addi %mul3A_14, %add3A_386 : vector<16xi32>
        %scatter3A = arith.constant 0 : i32
        %scatter3A_388 = arith.constant 0 : i32
        %scatter3A_389 = tpu.memref_slice %arg11[%and3A_362, %scatter3A, %scatter3A_388] : memref<2x64x128xf32, #tpu.memory_space<vmem>> -> memref<1x64x128xf32, #tpu.memory_space<vmem>>
        %scatter3A_390 = tpu.memref_squeeze %scatter3A_389 : memref<1x64x128xf32, #tpu.memory_space<vmem>> -> memref<64x128xf32, #tpu.memory_space<vmem>>
        tpu.vector_store_idx %scatter3A_390[%add3A_387, %add3A_376], %gather3A_384 : memref<64x128xf32, #tpu.memory_space<vmem>>[vector<16xi32>, vector<16xi32>], vector<16xf32>,
        %broadcast_in_dim3A_391 = arith.constant 1 : i32
        %broadcast_in_dim3A_392 = vector.broadcast %broadcast_in_dim3A_391 : i32 to vector<16xi32>
        %gather3A_393 = arith.constant 0 : i32
        %gather3A_394 = arith.constant 0 : i32
        %gather3A_395 = arith.constant 0 : i32
        %gather3A_396 = tpu.memref_slice %arg12[%select_n3A_98, %gather3A_393, %gather3A_394, %gather3A_395] : memref<3x16x16x128xf32, #tpu.memory_space<vmem>> -> memref<1x16x16x128xf32, #tpu.memory_space<vmem>>
        %gather3A_397 = tpu.memref_squeeze %gather3A_396 : memref<1x16x16x128xf32, #tpu.memory_space<vmem>> -> memref<16x16x128xf32, #tpu.memory_space<vmem>>
        %gather3A_398 = tpu.vector_load_idx %gather3A_397[%iota3A, %broadcast_in_dim3A_392, %and3A_370] : memref<16x16x128xf32, #tpu.memory_space<vmem>>[vector<16xi32>, vector<16xi32>, vector<16xi32>], vector<16xf32>,
        %add3A_399 = arith.constant 1 : i32
        %add3A_400 = vector.broadcast %add3A_399 : i32 to vector<16xi32>
        %add3A_401 = arith.addi %mul3A_14, %add3A_400 : vector<16xi32>
        %scatter3A_402 = arith.constant 0 : i32
        %scatter3A_403 = arith.constant 0 : i32
        %scatter3A_404 = tpu.memref_slice %arg11[%and3A_362, %scatter3A_402, %scatter3A_403] : memref<2x64x128xf32, #tpu.memory_space<vmem>> -> memref<1x64x128xf32, #tpu.memory_space<vmem>>
        %scatter3A_405 = tpu.memref_squeeze %scatter3A_404 : memref<1x64x128xf32, #tpu.memory_space<vmem>> -> memref<64x128xf32, #tpu.memory_space<vmem>>
        tpu.vector_store_idx %scatter3A_405[%add3A_401, %add3A_376], %gather3A_398 : memref<64x128xf32, #tpu.memory_space<vmem>>[vector<16xi32>, vector<16xi32>], vector<16xf32>,
        %broadcast_in_dim3A_406 = arith.constant 2 : i32
        %broadcast_in_dim3A_407 = vector.broadcast %broadcast_in_dim3A_406 : i32 to vector<16xi32>
        %gather3A_408 = arith.constant 0 : i32
        %gather3A_409 = arith.constant 0 : i32
        %gather3A_410 = arith.constant 0 : i32
        %gather3A_411 = tpu.memref_slice %arg12[%select_n3A_98, %gather3A_408, %gather3A_409, %gather3A_410] : memref<3x16x16x128xf32, #tpu.memory_space<vmem>> -> memref<1x16x16x128xf32, #tpu.memory_space<vmem>>
        %gather3A_412 = tpu.memref_squeeze %gather3A_411 : memref<1x16x16x128xf32, #tpu.memory_space<vmem>> -> memref<16x16x128xf32, #tpu.memory_space<vmem>>
        %gather3A_413 = tpu.vector_load_idx %gather3A_412[%iota3A, %broadcast_in_dim3A_407, %and3A_370] : memref<16x16x128xf32, #tpu.memory_space<vmem>>[vector<16xi32>, vector<16xi32>, vector<16xi32>], vector<16xf32>,
        %add3A_414 = arith.constant 2 : i32
        %add3A_415 = vector.broadcast %add3A_414 : i32 to vector<16xi32>
        %add3A_416 = arith.addi %mul3A_14, %add3A_415 : vector<16xi32>
        %scatter3A_417 = arith.constant 0 : i32
        %scatter3A_418 = arith.constant 0 : i32
        %scatter3A_419 = tpu.memref_slice %arg11[%and3A_362, %scatter3A_417, %scatter3A_418] : memref<2x64x128xf32, #tpu.memory_space<vmem>> -> memref<1x64x128xf32, #tpu.memory_space<vmem>>
        %scatter3A_420 = tpu.memref_squeeze %scatter3A_419 : memref<1x64x128xf32, #tpu.memory_space<vmem>> -> memref<64x128xf32, #tpu.memory_space<vmem>>
        tpu.vector_store_idx %scatter3A_420[%add3A_416, %add3A_376], %gather3A_413 : memref<64x128xf32, #tpu.memory_space<vmem>>[vector<16xi32>, vector<16xi32>], vector<16xf32>,
        %broadcast_in_dim3A_421 = arith.constant 3 : i32
        %broadcast_in_dim3A_422 = vector.broadcast %broadcast_in_dim3A_421 : i32 to vector<16xi32>
        %gather3A_423 = arith.constant 0 : i32
        %gather3A_424 = arith.constant 0 : i32
        %gather3A_425 = arith.constant 0 : i32
        %gather3A_426 = tpu.memref_slice %arg12[%select_n3A_98, %gather3A_423, %gather3A_424, %gather3A_425] : memref<3x16x16x128xf32, #tpu.memory_space<vmem>> -> memref<1x16x16x128xf32, #tpu.memory_space<vmem>>
        %gather3A_427 = tpu.memref_squeeze %gather3A_426 : memref<1x16x16x128xf32, #tpu.memory_space<vmem>> -> memref<16x16x128xf32, #tpu.memory_space<vmem>>
        %gather3A_428 = tpu.vector_load_idx %gather3A_427[%iota3A, %broadcast_in_dim3A_422, %and3A_370] : memref<16x16x128xf32, #tpu.memory_space<vmem>>[vector<16xi32>, vector<16xi32>, vector<16xi32>], vector<16xf32>,
        %add3A_429 = arith.constant 3 : i32
        %add3A_430 = vector.broadcast %add3A_429 : i32 to vector<16xi32>
        %add3A_431 = arith.addi %mul3A_14, %add3A_430 : vector<16xi32>
        %scatter3A_432 = arith.constant 0 : i32
        %scatter3A_433 = arith.constant 0 : i32
        %scatter3A_434 = tpu.memref_slice %arg11[%and3A_362, %scatter3A_432, %scatter3A_433] : memref<2x64x128xf32, #tpu.memory_space<vmem>> -> memref<1x64x128xf32, #tpu.memory_space<vmem>>
        %scatter3A_435 = tpu.memref_squeeze %scatter3A_434 : memref<1x64x128xf32, #tpu.memory_space<vmem>> -> memref<64x128xf32, #tpu.memory_space<vmem>>
        tpu.vector_store_idx %scatter3A_435[%add3A_431, %add3A_376], %gather3A_428 : memref<64x128xf32, #tpu.memory_space<vmem>>[vector<16xi32>, vector<16xi32>], vector<16xf32>,
        %broadcast_in_dim3A_436 = arith.constant 4 : i32
        %broadcast_in_dim3A_437 = vector.broadcast %broadcast_in_dim3A_436 : i32 to vector<16xi32>
        %gather3A_438 = arith.constant 0 : i32
        %gather3A_439 = arith.constant 0 : i32
        %gather3A_440 = arith.constant 0 : i32
        %gather3A_441 = tpu.memref_slice %arg12[%select_n3A_98, %gather3A_438, %gather3A_439, %gather3A_440] : memref<3x16x16x128xf32, #tpu.memory_space<vmem>> -> memref<1x16x16x128xf32, #tpu.memory_space<vmem>>
        %gather3A_442 = tpu.memref_squeeze %gather3A_441 : memref<1x16x16x128xf32, #tpu.memory_space<vmem>> -> memref<16x16x128xf32, #tpu.memory_space<vmem>>
        %gather3A_443 = tpu.vector_load_idx %gather3A_442[%iota3A, %broadcast_in_dim3A_437, %and3A_370] : memref<16x16x128xf32, #tpu.memory_space<vmem>>[vector<16xi32>, vector<16xi32>, vector<16xi32>], vector<16xf32>,
        %add3A_444 = arith.constant 4 : i32
        %add3A_445 = vector.broadcast %add3A_444 : i32 to vector<16xi32>
        %add3A_446 = arith.addi %mul3A_14, %add3A_445 : vector<16xi32>
        %scatter3A_447 = arith.constant 0 : i32
        %scatter3A_448 = arith.constant 0 : i32
        %scatter3A_449 = tpu.memref_slice %arg11[%and3A_362, %scatter3A_447, %scatter3A_448] : memref<2x64x128xf32, #tpu.memory_space<vmem>> -> memref<1x64x128xf32, #tpu.memory_space<vmem>>
        %scatter3A_450 = tpu.memref_squeeze %scatter3A_449 : memref<1x64x128xf32, #tpu.memory_space<vmem>> -> memref<64x128xf32, #tpu.memory_space<vmem>>
        tpu.vector_store_idx %scatter3A_450[%add3A_446, %add3A_376], %gather3A_443 : memref<64x128xf32, #tpu.memory_space<vmem>>[vector<16xi32>, vector<16xi32>], vector<16xf32>,
        %broadcast_in_dim3A_451 = arith.constant 5 : i32
        %broadcast_in_dim3A_452 = vector.broadcast %broadcast_in_dim3A_451 : i32 to vector<16xi32>
        %gather3A_453 = arith.constant 0 : i32
        %gather3A_454 = arith.constant 0 : i32
        %gather3A_455 = arith.constant 0 : i32
        %gather3A_456 = tpu.memref_slice %arg12[%select_n3A_98, %gather3A_453, %gather3A_454, %gather3A_455] : memref<3x16x16x128xf32, #tpu.memory_space<vmem>> -> memref<1x16x16x128xf32, #tpu.memory_space<vmem>>
        %gather3A_457 = tpu.memref_squeeze %gather3A_456 : memref<1x16x16x128xf32, #tpu.memory_space<vmem>> -> memref<16x16x128xf32, #tpu.memory_space<vmem>>
        %gather3A_458 = tpu.vector_load_idx %gather3A_457[%iota3A, %broadcast_in_dim3A_452, %and3A_370] : memref<16x16x128xf32, #tpu.memory_space<vmem>>[vector<16xi32>, vector<16xi32>, vector<16xi32>], vector<16xf32>,
        %add3A_459 = arith.constant 5 : i32
        %add3A_460 = vector.broadcast %add3A_459 : i32 to vector<16xi32>
        %add3A_461 = arith.addi %mul3A_14, %add3A_460 : vector<16xi32>
        %scatter3A_462 = arith.constant 0 : i32
        %scatter3A_463 = arith.constant 0 : i32
        %scatter3A_464 = tpu.memref_slice %arg11[%and3A_362, %scatter3A_462, %scatter3A_463] : memref<2x64x128xf32, #tpu.memory_space<vmem>> -> memref<1x64x128xf32, #tpu.memory_space<vmem>>
        %scatter3A_465 = tpu.memref_squeeze %scatter3A_464 : memref<1x64x128xf32, #tpu.memory_space<vmem>> -> memref<64x128xf32, #tpu.memory_space<vmem>>
        tpu.vector_store_idx %scatter3A_465[%add3A_461, %add3A_376], %gather3A_458 : memref<64x128xf32, #tpu.memory_space<vmem>>[vector<16xi32>, vector<16xi32>], vector<16xf32>,
        %broadcast_in_dim3A_466 = arith.constant 6 : i32
        %broadcast_in_dim3A_467 = vector.broadcast %broadcast_in_dim3A_466 : i32 to vector<16xi32>
        %gather3A_468 = arith.constant 0 : i32
        %gather3A_469 = arith.constant 0 : i32
        %gather3A_470 = arith.constant 0 : i32
        %gather3A_471 = tpu.memref_slice %arg12[%select_n3A_98, %gather3A_468, %gather3A_469, %gather3A_470] : memref<3x16x16x128xf32, #tpu.memory_space<vmem>> -> memref<1x16x16x128xf32, #tpu.memory_space<vmem>>
        %gather3A_472 = tpu.memref_squeeze %gather3A_471 : memref<1x16x16x128xf32, #tpu.memory_space<vmem>> -> memref<16x16x128xf32, #tpu.memory_space<vmem>>
        %gather3A_473 = tpu.vector_load_idx %gather3A_472[%iota3A, %broadcast_in_dim3A_467, %and3A_370] : memref<16x16x128xf32, #tpu.memory_space<vmem>>[vector<16xi32>, vector<16xi32>, vector<16xi32>], vector<16xf32>,
        %add3A_474 = arith.constant 6 : i32
        %add3A_475 = vector.broadcast %add3A_474 : i32 to vector<16xi32>
        %add3A_476 = arith.addi %mul3A_14, %add3A_475 : vector<16xi32>
        %scatter3A_477 = arith.constant 0 : i32
        %scatter3A_478 = arith.constant 0 : i32
        %scatter3A_479 = tpu.memref_slice %arg11[%and3A_362, %scatter3A_477, %scatter3A_478] : memref<2x64x128xf32, #tpu.memory_space<vmem>> -> memref<1x64x128xf32, #tpu.memory_space<vmem>>
        %scatter3A_480 = tpu.memref_squeeze %scatter3A_479 : memref<1x64x128xf32, #tpu.memory_space<vmem>> -> memref<64x128xf32, #tpu.memory_space<vmem>>
        tpu.vector_store_idx %scatter3A_480[%add3A_476, %add3A_376], %gather3A_473 : memref<64x128xf32, #tpu.memory_space<vmem>>[vector<16xi32>, vector<16xi32>], vector<16xf32>,
        %broadcast_in_dim3A_481 = arith.constant 7 : i32
        %broadcast_in_dim3A_482 = vector.broadcast %broadcast_in_dim3A_481 : i32 to vector<16xi32>
        %gather3A_483 = arith.constant 0 : i32
        %gather3A_484 = arith.constant 0 : i32
        %gather3A_485 = arith.constant 0 : i32
        %gather3A_486 = tpu.memref_slice %arg12[%select_n3A_98, %gather3A_483, %gather3A_484, %gather3A_485] : memref<3x16x16x128xf32, #tpu.memory_space<vmem>> -> memref<1x16x16x128xf32, #tpu.memory_space<vmem>>
        %gather3A_487 = tpu.memref_squeeze %gather3A_486 : memref<1x16x16x128xf32, #tpu.memory_space<vmem>> -> memref<16x16x128xf32, #tpu.memory_space<vmem>>
        %gather3A_488 = tpu.vector_load_idx %gather3A_487[%iota3A, %broadcast_in_dim3A_482, %and3A_370] : memref<16x16x128xf32, #tpu.memory_space<vmem>>[vector<16xi32>, vector<16xi32>, vector<16xi32>], vector<16xf32>,
        %add3A_489 = arith.constant 7 : i32
        %add3A_490 = vector.broadcast %add3A_489 : i32 to vector<16xi32>
        %add3A_491 = arith.addi %mul3A_14, %add3A_490 : vector<16xi32>
        %scatter3A_492 = arith.constant 0 : i32
        %scatter3A_493 = arith.constant 0 : i32
        %scatter3A_494 = tpu.memref_slice %arg11[%and3A_362, %scatter3A_492, %scatter3A_493] : memref<2x64x128xf32, #tpu.memory_space<vmem>> -> memref<1x64x128xf32, #tpu.memory_space<vmem>>
        %scatter3A_495 = tpu.memref_squeeze %scatter3A_494 : memref<1x64x128xf32, #tpu.memory_space<vmem>> -> memref<64x128xf32, #tpu.memory_space<vmem>>
        tpu.vector_store_idx %scatter3A_495[%add3A_491, %add3A_376], %gather3A_488 : memref<64x128xf32, #tpu.memory_space<vmem>>[vector<16xi32>, vector<16xi32>], vector<16xf32>,
        %broadcast_in_dim3A_496 = arith.constant 8 : i32
        %broadcast_in_dim3A_497 = vector.broadcast %broadcast_in_dim3A_496 : i32 to vector<16xi32>
        %gather3A_498 = arith.constant 0 : i32
        %gather3A_499 = arith.constant 0 : i32
        %gather3A_500 = arith.constant 0 : i32
        %gather3A_501 = tpu.memref_slice %arg12[%select_n3A_98, %gather3A_498, %gather3A_499, %gather3A_500] : memref<3x16x16x128xf32, #tpu.memory_space<vmem>> -> memref<1x16x16x128xf32, #tpu.memory_space<vmem>>
        %gather3A_502 = tpu.memref_squeeze %gather3A_501 : memref<1x16x16x128xf32, #tpu.memory_space<vmem>> -> memref<16x16x128xf32, #tpu.memory_space<vmem>>
        %gather3A_503 = tpu.vector_load_idx %gather3A_502[%iota3A, %broadcast_in_dim3A_497, %and3A_370] : memref<16x16x128xf32, #tpu.memory_space<vmem>>[vector<16xi32>, vector<16xi32>, vector<16xi32>], vector<16xf32>,
        %add3A_504 = arith.constant 8 : i32
        %add3A_505 = vector.broadcast %add3A_504 : i32 to vector<16xi32>
        %add3A_506 = arith.addi %mul3A_14, %add3A_505 : vector<16xi32>
        %scatter3A_507 = arith.constant 0 : i32
        %scatter3A_508 = arith.constant 0 : i32
        %scatter3A_509 = tpu.memref_slice %arg11[%and3A_362, %scatter3A_507, %scatter3A_508] : memref<2x64x128xf32, #tpu.memory_space<vmem>> -> memref<1x64x128xf32, #tpu.memory_space<vmem>>
        %scatter3A_510 = tpu.memref_squeeze %scatter3A_509 : memref<1x64x128xf32, #tpu.memory_space<vmem>> -> memref<64x128xf32, #tpu.memory_space<vmem>>
        tpu.vector_store_idx %scatter3A_510[%add3A_506, %add3A_376], %gather3A_503 : memref<64x128xf32, #tpu.memory_space<vmem>>[vector<16xi32>, vector<16xi32>], vector<16xf32>,
        %broadcast_in_dim3A_511 = arith.constant 9 : i32
        %broadcast_in_dim3A_512 = vector.broadcast %broadcast_in_dim3A_511 : i32 to vector<16xi32>
        %gather3A_513 = arith.constant 0 : i32
        %gather3A_514 = arith.constant 0 : i32
        %gather3A_515 = arith.constant 0 : i32
        %gather3A_516 = tpu.memref_slice %arg12[%select_n3A_98, %gather3A_513, %gather3A_514, %gather3A_515] : memref<3x16x16x128xf32, #tpu.memory_space<vmem>> -> memref<1x16x16x128xf32, #tpu.memory_space<vmem>>
        %gather3A_517 = tpu.memref_squeeze %gather3A_516 : memref<1x16x16x128xf32, #tpu.memory_space<vmem>> -> memref<16x16x128xf32, #tpu.memory_space<vmem>>
        %gather3A_518 = tpu.vector_load_idx %gather3A_517[%iota3A, %broadcast_in_dim3A_512, %and3A_370] : memref<16x16x128xf32, #tpu.memory_space<vmem>>[vector<16xi32>, vector<16xi32>, vector<16xi32>], vector<16xf32>,
        %add3A_519 = arith.constant 9 : i32
        %add3A_520 = vector.broadcast %add3A_519 : i32 to vector<16xi32>
        %add3A_521 = arith.addi %mul3A_14, %add3A_520 : vector<16xi32>
        %scatter3A_522 = arith.constant 0 : i32
        %scatter3A_523 = arith.constant 0 : i32
        %scatter3A_524 = tpu.memref_slice %arg11[%and3A_362, %scatter3A_522, %scatter3A_523] : memref<2x64x128xf32, #tpu.memory_space<vmem>> -> memref<1x64x128xf32, #tpu.memory_space<vmem>>
        %scatter3A_525 = tpu.memref_squeeze %scatter3A_524 : memref<1x64x128xf32, #tpu.memory_space<vmem>> -> memref<64x128xf32, #tpu.memory_space<vmem>>
        tpu.vector_store_idx %scatter3A_525[%add3A_521, %add3A_376], %gather3A_518 : memref<64x128xf32, #tpu.memory_space<vmem>>[vector<16xi32>, vector<16xi32>], vector<16xf32>,
        %broadcast_in_dim3A_526 = arith.constant 10 : i32
        %broadcast_in_dim3A_527 = vector.broadcast %broadcast_in_dim3A_526 : i32 to vector<16xi32>
        %gather3A_528 = arith.constant 0 : i32
        %gather3A_529 = arith.constant 0 : i32
        %gather3A_530 = arith.constant 0 : i32
        %gather3A_531 = tpu.memref_slice %arg12[%select_n3A_98, %gather3A_528, %gather3A_529, %gather3A_530] : memref<3x16x16x128xf32, #tpu.memory_space<vmem>> -> memref<1x16x16x128xf32, #tpu.memory_space<vmem>>
        %gather3A_532 = tpu.memref_squeeze %gather3A_531 : memref<1x16x16x128xf32, #tpu.memory_space<vmem>> -> memref<16x16x128xf32, #tpu.memory_space<vmem>>
        %gather3A_533 = tpu.vector_load_idx %gather3A_532[%iota3A, %broadcast_in_dim3A_527, %and3A_370] : memref<16x16x128xf32, #tpu.memory_space<vmem>>[vector<16xi32>, vector<16xi32>, vector<16xi32>], vector<16xf32>,
        %add3A_534 = arith.constant 10 : i32
        %add3A_535 = vector.broadcast %add3A_534 : i32 to vector<16xi32>
        %add3A_536 = arith.addi %mul3A_14, %add3A_535 : vector<16xi32>
        %scatter3A_537 = arith.constant 0 : i32
        %scatter3A_538 = arith.constant 0 : i32
        %scatter3A_539 = tpu.memref_slice %arg11[%and3A_362, %scatter3A_537, %scatter3A_538] : memref<2x64x128xf32, #tpu.memory_space<vmem>> -> memref<1x64x128xf32, #tpu.memory_space<vmem>>
        %scatter3A_540 = tpu.memref_squeeze %scatter3A_539 : memref<1x64x128xf32, #tpu.memory_space<vmem>> -> memref<64x128xf32, #tpu.memory_space<vmem>>
        tpu.vector_store_idx %scatter3A_540[%add3A_536, %add3A_376], %gather3A_533 : memref<64x128xf32, #tpu.memory_space<vmem>>[vector<16xi32>, vector<16xi32>], vector<16xf32>,
        %broadcast_in_dim3A_541 = arith.constant 11 : i32
        %broadcast_in_dim3A_542 = vector.broadcast %broadcast_in_dim3A_541 : i32 to vector<16xi32>
        %gather3A_543 = arith.constant 0 : i32
        %gather3A_544 = arith.constant 0 : i32
        %gather3A_545 = arith.constant 0 : i32
        %gather3A_546 = tpu.memref_slice %arg12[%select_n3A_98, %gather3A_543, %gather3A_544, %gather3A_545] : memref<3x16x16x128xf32, #tpu.memory_space<vmem>> -> memref<1x16x16x128xf32, #tpu.memory_space<vmem>>
        %gather3A_547 = tpu.memref_squeeze %gather3A_546 : memref<1x16x16x128xf32, #tpu.memory_space<vmem>> -> memref<16x16x128xf32, #tpu.memory_space<vmem>>
        %gather3A_548 = tpu.vector_load_idx %gather3A_547[%iota3A, %broadcast_in_dim3A_542, %and3A_370] : memref<16x16x128xf32, #tpu.memory_space<vmem>>[vector<16xi32>, vector<16xi32>, vector<16xi32>], vector<16xf32>,
        %add3A_549 = arith.constant 11 : i32
        %add3A_550 = vector.broadcast %add3A_549 : i32 to vector<16xi32>
        %add3A_551 = arith.addi %mul3A_14, %add3A_550 : vector<16xi32>
        %scatter3A_552 = arith.constant 0 : i32
        %scatter3A_553 = arith.constant 0 : i32
        %scatter3A_554 = tpu.memref_slice %arg11[%and3A_362, %scatter3A_552, %scatter3A_553] : memref<2x64x128xf32, #tpu.memory_space<vmem>> -> memref<1x64x128xf32, #tpu.memory_space<vmem>>
        %scatter3A_555 = tpu.memref_squeeze %scatter3A_554 : memref<1x64x128xf32, #tpu.memory_space<vmem>> -> memref<64x128xf32, #tpu.memory_space<vmem>>
        tpu.vector_store_idx %scatter3A_555[%add3A_551, %add3A_376], %gather3A_548 : memref<64x128xf32, #tpu.memory_space<vmem>>[vector<16xi32>, vector<16xi32>], vector<16xf32>,
        %broadcast_in_dim3A_556 = arith.constant 12 : i32
        %broadcast_in_dim3A_557 = vector.broadcast %broadcast_in_dim3A_556 : i32 to vector<16xi32>
        %gather3A_558 = arith.constant 0 : i32
        %gather3A_559 = arith.constant 0 : i32
        %gather3A_560 = arith.constant 0 : i32
        %gather3A_561 = tpu.memref_slice %arg12[%select_n3A_98, %gather3A_558, %gather3A_559, %gather3A_560] : memref<3x16x16x128xf32, #tpu.memory_space<vmem>> -> memref<1x16x16x128xf32, #tpu.memory_space<vmem>>
        %gather3A_562 = tpu.memref_squeeze %gather3A_561 : memref<1x16x16x128xf32, #tpu.memory_space<vmem>> -> memref<16x16x128xf32, #tpu.memory_space<vmem>>
        %gather3A_563 = tpu.vector_load_idx %gather3A_562[%iota3A, %broadcast_in_dim3A_557, %and3A_370] : memref<16x16x128xf32, #tpu.memory_space<vmem>>[vector<16xi32>, vector<16xi32>, vector<16xi32>], vector<16xf32>,
        %add3A_564 = arith.constant 12 : i32
        %add3A_565 = vector.broadcast %add3A_564 : i32 to vector<16xi32>
        %add3A_566 = arith.addi %mul3A_14, %add3A_565 : vector<16xi32>
        %scatter3A_567 = arith.constant 0 : i32
        %scatter3A_568 = arith.constant 0 : i32
        %scatter3A_569 = tpu.memref_slice %arg11[%and3A_362, %scatter3A_567, %scatter3A_568] : memref<2x64x128xf32, #tpu.memory_space<vmem>> -> memref<1x64x128xf32, #tpu.memory_space<vmem>>
        %scatter3A_570 = tpu.memref_squeeze %scatter3A_569 : memref<1x64x128xf32, #tpu.memory_space<vmem>> -> memref<64x128xf32, #tpu.memory_space<vmem>>
        tpu.vector_store_idx %scatter3A_570[%add3A_566, %add3A_376], %gather3A_563 : memref<64x128xf32, #tpu.memory_space<vmem>>[vector<16xi32>, vector<16xi32>], vector<16xf32>,
        %broadcast_in_dim3A_571 = arith.constant 13 : i32
        %broadcast_in_dim3A_572 = vector.broadcast %broadcast_in_dim3A_571 : i32 to vector<16xi32>
        %gather3A_573 = arith.constant 0 : i32
        %gather3A_574 = arith.constant 0 : i32
        %gather3A_575 = arith.constant 0 : i32
        %gather3A_576 = tpu.memref_slice %arg12[%select_n3A_98, %gather3A_573, %gather3A_574, %gather3A_575] : memref<3x16x16x128xf32, #tpu.memory_space<vmem>> -> memref<1x16x16x128xf32, #tpu.memory_space<vmem>>
        %gather3A_577 = tpu.memref_squeeze %gather3A_576 : memref<1x16x16x128xf32, #tpu.memory_space<vmem>> -> memref<16x16x128xf32, #tpu.memory_space<vmem>>
        %gather3A_578 = tpu.vector_load_idx %gather3A_577[%iota3A, %broadcast_in_dim3A_572, %and3A_370] : memref<16x16x128xf32, #tpu.memory_space<vmem>>[vector<16xi32>, vector<16xi32>, vector<16xi32>], vector<16xf32>,
        %add3A_579 = arith.constant 13 : i32
        %add3A_580 = vector.broadcast %add3A_579 : i32 to vector<16xi32>
        %add3A_581 = arith.addi %mul3A_14, %add3A_580 : vector<16xi32>
        %scatter3A_582 = arith.constant 0 : i32
        %scatter3A_583 = arith.constant 0 : i32
        %scatter3A_584 = tpu.memref_slice %arg11[%and3A_362, %scatter3A_582, %scatter3A_583] : memref<2x64x128xf32, #tpu.memory_space<vmem>> -> memref<1x64x128xf32, #tpu.memory_space<vmem>>
        %scatter3A_585 = tpu.memref_squeeze %scatter3A_584 : memref<1x64x128xf32, #tpu.memory_space<vmem>> -> memref<64x128xf32, #tpu.memory_space<vmem>>
        tpu.vector_store_idx %scatter3A_585[%add3A_581, %add3A_376], %gather3A_578 : memref<64x128xf32, #tpu.memory_space<vmem>>[vector<16xi32>, vector<16xi32>], vector<16xf32>,
        %broadcast_in_dim3A_586 = arith.constant 14 : i32
        %broadcast_in_dim3A_587 = vector.broadcast %broadcast_in_dim3A_586 : i32 to vector<16xi32>
        %gather3A_588 = arith.constant 0 : i32
        %gather3A_589 = arith.constant 0 : i32
        %gather3A_590 = arith.constant 0 : i32
        %gather3A_591 = tpu.memref_slice %arg12[%select_n3A_98, %gather3A_588, %gather3A_589, %gather3A_590] : memref<3x16x16x128xf32, #tpu.memory_space<vmem>> -> memref<1x16x16x128xf32, #tpu.memory_space<vmem>>
        %gather3A_592 = tpu.memref_squeeze %gather3A_591 : memref<1x16x16x128xf32, #tpu.memory_space<vmem>> -> memref<16x16x128xf32, #tpu.memory_space<vmem>>
        %gather3A_593 = tpu.vector_load_idx %gather3A_592[%iota3A, %broadcast_in_dim3A_587, %and3A_370] : memref<16x16x128xf32, #tpu.memory_space<vmem>>[vector<16xi32>, vector<16xi32>, vector<16xi32>], vector<16xf32>,
        %add3A_594 = arith.constant 14 : i32
        %add3A_595 = vector.broadcast %add3A_594 : i32 to vector<16xi32>
        %add3A_596 = arith.addi %mul3A_14, %add3A_595 : vector<16xi32>
        %scatter3A_597 = arith.constant 0 : i32
        %scatter3A_598 = arith.constant 0 : i32
        %scatter3A_599 = tpu.memref_slice %arg11[%and3A_362, %scatter3A_597, %scatter3A_598] : memref<2x64x128xf32, #tpu.memory_space<vmem>> -> memref<1x64x128xf32, #tpu.memory_space<vmem>>
        %scatter3A_600 = tpu.memref_squeeze %scatter3A_599 : memref<1x64x128xf32, #tpu.memory_space<vmem>> -> memref<64x128xf32, #tpu.memory_space<vmem>>
        tpu.vector_store_idx %scatter3A_600[%add3A_596, %add3A_376], %gather3A_593 : memref<64x128xf32, #tpu.memory_space<vmem>>[vector<16xi32>, vector<16xi32>], vector<16xf32>,
        %broadcast_in_dim3A_601 = arith.constant 15 : i32
        %broadcast_in_dim3A_602 = vector.broadcast %broadcast_in_dim3A_601 : i32 to vector<16xi32>
        %gather3A_603 = arith.constant 0 : i32
        %gather3A_604 = arith.constant 0 : i32
        %gather3A_605 = arith.constant 0 : i32
        %gather3A_606 = tpu.memref_slice %arg12[%select_n3A_98, %gather3A_603, %gather3A_604, %gather3A_605] : memref<3x16x16x128xf32, #tpu.memory_space<vmem>> -> memref<1x16x16x128xf32, #tpu.memory_space<vmem>>
        %gather3A_607 = tpu.memref_squeeze %gather3A_606 : memref<1x16x16x128xf32, #tpu.memory_space<vmem>> -> memref<16x16x128xf32, #tpu.memory_space<vmem>>
        %gather3A_608 = tpu.vector_load_idx %gather3A_607[%iota3A, %broadcast_in_dim3A_602, %and3A_370] : memref<16x16x128xf32, #tpu.memory_space<vmem>>[vector<16xi32>, vector<16xi32>, vector<16xi32>], vector<16xf32>,
        %add3A_609 = arith.constant 15 : i32
        %add3A_610 = vector.broadcast %add3A_609 : i32 to vector<16xi32>
        %add3A_611 = arith.addi %mul3A_14, %add3A_610 : vector<16xi32>
        %scatter3A_612 = arith.constant 0 : i32
        %scatter3A_613 = arith.constant 0 : i32
        %scatter3A_614 = tpu.memref_slice %arg11[%and3A_362, %scatter3A_612, %scatter3A_613] : memref<2x64x128xf32, #tpu.memory_space<vmem>> -> memref<1x64x128xf32, #tpu.memory_space<vmem>>
        %scatter3A_615 = tpu.memref_squeeze %scatter3A_614 : memref<1x64x128xf32, #tpu.memory_space<vmem>> -> memref<64x128xf32, #tpu.memory_space<vmem>>
        tpu.vector_store_idx %scatter3A_615[%add3A_611, %add3A_376], %gather3A_608 : memref<64x128xf32, #tpu.memory_space<vmem>>[vector<16xi32>, vector<16xi32>], vector<16xf32>,
        %jit3A_616 = arith.constant 32 : i32
        %eq3A_617 = arith.constant 0 : i32
        %eq3A_618 = arith.cmpi eq, %jit3A_616, %eq3A_617 : i32
        %jit3A_619 = arith.constant 1 : i32
        %select_n3A_620 = arith.select %eq3A_618, %jit3A_619, %jit3A_616 : i32
        %rem3A_621 = arith.remsi %sub3A_62, %select_n3A_620 : i32
        %ne3A_622 = arith.constant 0 : i32
        %ne3A_623 = arith.cmpi ne, %rem3A_621, %ne3A_622 : i32
        %lt3A_624 = arith.constant 0 : i32
        %lt3A_625 = arith.cmpi slt, %rem3A_621, %lt3A_624 : i32
        %lt3A_626 = arith.constant 0 : i32
        %lt3A_627 = arith.cmpi slt, %select_n3A_620, %lt3A_626 : i32
        %ne3A_628 = arith.xori %lt3A_625, %lt3A_627 : i1
        %and3A_629 = arith.andi %ne3A_628, %ne3A_623 : i1
        %add3A_630 = arith.addi %rem3A_621, %select_n3A_620 : i32
        %select_n3A_631 = arith.select %and3A_629, %add3A_630, %rem3A_621 : i32
        %eq3A_632 = arith.constant 31 : i32
        %eq3A_633 = arith.cmpi eq, %select_n3A_631, %eq3A_632 : i32
        %convert_element_type3A_634 = arith.extui %eq3A_633 : i1 to i32
        %cond3A_635 = arith.constant 0 : i32
        %cond3A_636 = arith.cmpi ne, %convert_element_type3A_634, %cond3A_635 : i32
        scf.if %cond3A_636 {
          %jit3A_637 = arith.constant 32 : i32
          %div3A_638 = arith.divsi %sub3A_62, %jit3A_637 : i32
          %sign3A_639 = arith.constant 0 : i32
          %sign3A_640 = arith.cmpi sgt, %sub3A_62, %sign3A_639 : i32
          %sign3A_641 = arith.extui %sign3A_640 : i1 to i32
          %sign3A_642 = arith.constant 0 : i32
          %sign3A_643 = arith.cmpi slt, %sub3A_62, %sign3A_642 : i32
          %sign3A_644 = arith.extui %sign3A_643 : i1 to i32
          %sign3A_645 = arith.subi %sign3A_641, %sign3A_644 : i32
          %sign3A_646 = arith.constant 0 : i32
          %sign3A_647 = arith.cmpi sgt, %jit3A_637, %sign3A_646 : i32
          %sign3A_648 = arith.extui %sign3A_647 : i1 to i32
          %sign3A_649 = arith.constant 0 : i32
          %sign3A_650 = arith.cmpi slt, %jit3A_637, %sign3A_649 : i32
          %sign3A_651 = arith.extui %sign3A_650 : i1 to i32
          %sign3A_652 = arith.subi %sign3A_648, %sign3A_651 : i32
          %ne3A_653 = arith.cmpi ne, %sign3A_645, %sign3A_652 : i32
          %rem3A_654 = arith.remsi %sub3A_62, %jit3A_637 : i32
          %ne3A_655 = arith.constant 0 : i32
          %ne3A_656 = arith.cmpi ne, %rem3A_654, %ne3A_655 : i32
          %and3A_657 = arith.andi %ne3A_653, %ne3A_656 : i1
          %sub3A_658 = arith.constant 1 : i32
          %sub3A_659 = arith.subi %div3A_638, %sub3A_658 : i32
          %select_n3A_660 = arith.select %and3A_657, %sub3A_659, %div3A_638 : i32
          %mul3A_661 = arith.constant 128 : i32
          %mul3A_662 = arith.muli %select_n3A_660, %mul3A_661 : i32
          %add3A_663 = arith.addi %mul3A_2, %mul3A_662 : i32
          %multiple_of3A = tpu.assume_multiple %add3A_663, 128 : i32
          %and3A_664 = arith.constant 1 : i32
          %and3A_665 = arith.andi %select_n3A_660, %and3A_664 : i32
          %dma_start3A = arith.constant 0 : i32
          %dma_start3A_666 = arith.constant 0 : i32
          %dma_start3A_667 = tpu.memref_slice %arg11[%and3A_665, %dma_start3A, %dma_start3A_666] : memref<2x64x128xf32, #tpu.memory_space<vmem>> -> memref<1x64x128xf32, #tpu.memory_space<vmem>>
          %dma_start3A_668 = tpu.memref_squeeze %dma_start3A_667 : memref<1x64x128xf32, #tpu.memory_space<vmem>> -> memref<64x128xf32, #tpu.memory_space<vmem>>
          %dma_start3A_669 = arith.constant 0 : i32
          %dma_start3A_670 = tpu.memref_slice %arg8[%dma_start3A_669, %multiple_of3A] : memref<64x16384xf32, #tpu.memory_space<hbm>> -> memref<64x128xf32, #tpu.memory_space<hbm>>
          %dma_start3A_671 = arith.constant 0 : i32
          %dma_start3A_672 = tpu.memref_slice %arg8[%dma_start3A_671, %multiple_of3A] : memref<64x16384xf32, #tpu.memory_space<hbm>> -> memref<64x128xf32, #tpu.memory_space<hbm>>
          %dma_start3A_673 = arith.constant 0 : i32
          %dma_start3A_674 = arith.constant 0 : i32
          %dma_start3A_675 = tpu.memref_slice %arg11[%and3A_665, %dma_start3A_673, %dma_start3A_674] : memref<2x64x128xf32, #tpu.memory_space<vmem>> -> memref<1x64x128xf32, #tpu.memory_space<vmem>>
          %dma_start3A_676 = tpu.memref_squeeze %dma_start3A_675 : memref<1x64x128xf32, #tpu.memory_space<vmem>> -> memref<64x128xf32, #tpu.memory_space<vmem>>
          tpu.enqueue_dma source(%dma_start3A_676 : memref<64x128xf32, #tpu.memory_space<vmem>>) target(%dma_start3A_672 : memref<64x128xf32, #tpu.memory_space<hbm>>) target_semaphore(%arg16 : memref<!tpu.dma_semaphore, #tpu.memory_space<semaphore_mem>>)
        } else {
        }
      } else {
      }
    }
    %scan3A_25 = arith.constant 130 : i32
    %dma_wait3A = arith.constant 0 : i32
    %dma_wait3A_26 = arith.constant 0 : i32
    %dma_wait3A_27 = arith.constant 0 : i32
    %dma_wait3A_28 = tpu.memref_slice %arg11[%dma_wait3A, %dma_wait3A_26, %dma_wait3A_27] : memref<2x64x128xf32, #tpu.memory_space<vmem>> -> memref<1x64x128xf32, #tpu.memory_space<vmem>>
    %dma_wait3A_29 = tpu.memref_squeeze %dma_wait3A_28 : memref<1x64x128xf32, #tpu.memory_space<vmem>> -> memref<64x128xf32, #tpu.memory_space<vmem>>
    %dma_wait3A_30 = arith.constant 0 : i32
    %dma_wait3A_31 = arith.constant 0 : i32
    %dma_wait3A_32 = tpu.memref_slice %arg8[%dma_wait3A_30, %dma_wait3A_31] : memref<64x16384xf32, #tpu.memory_space<hbm>> -> memref<64x128xf32, #tpu.memory_space<hbm>>
    %dma_wait3A_33 = arith.constant 0 : i32
    %dma_wait3A_34 = arith.constant 0 : i32
    %dma_wait3A_35 = tpu.memref_slice %arg8[%dma_wait3A_33, %dma_wait3A_34] : memref<64x16384xf32, #tpu.memory_space<hbm>> -> memref<64x128xf32, #tpu.memory_space<hbm>>
    %dma_wait3A_36 = arith.constant 0 : i32
    %dma_wait3A_37 = arith.constant 0 : i32
    %dma_wait3A_38 = tpu.memref_slice %arg11[%dma_wait3A, %dma_wait3A_36, %dma_wait3A_37] : memref<2x64x128xf32, #tpu.memory_space<vmem>> -> memref<1x64x128xf32, #tpu.memory_space<vmem>>
    %dma_wait3A_39 = tpu.memref_squeeze %dma_wait3A_38 : memref<1x64x128xf32, #tpu.memory_space<vmem>> -> memref<64x128xf32, #tpu.memory_space<vmem>>
    tpu.wait_dma2 semaphore(%arg16 : memref<!tpu.dma_semaphore, #tpu.memory_space<semaphore_mem>>) src(%dma_wait3A_39 : memref<64x128xf32, #tpu.memory_space<vmem>>) dst(%dma_wait3A_35 : memref<64x128xf32, #tpu.memory_space<hbm>>)
    %dma_wait3A_40 = arith.constant 0 : i32
    %dma_wait3A_41 = arith.constant 0 : i32
    %dma_wait3A_42 = arith.constant 0 : i32
    %dma_wait3A_43 = tpu.memref_slice %arg11[%dma_wait3A_40, %dma_wait3A_41, %dma_wait3A_42] : memref<2x64x128xf32, #tpu.memory_space<vmem>> -> memref<1x64x128xf32, #tpu.memory_space<vmem>>
    %dma_wait3A_44 = tpu.memref_squeeze %dma_wait3A_43 : memref<1x64x128xf32, #tpu.memory_space<vmem>> -> memref<64x128xf32, #tpu.memory_space<vmem>>
    %dma_wait3A_45 = arith.constant 0 : i32
    %dma_wait3A_46 = arith.constant 0 : i32
    %dma_wait3A_47 = tpu.memref_slice %arg8[%dma_wait3A_45, %dma_wait3A_46] : memref<64x16384xf32, #tpu.memory_space<hbm>> -> memref<64x128xf32, #tpu.memory_space<hbm>>
    %dma_wait3A_48 = arith.constant 0 : i32
    %dma_wait3A_49 = arith.constant 0 : i32
    %dma_wait3A_50 = tpu.memref_slice %arg8[%dma_wait3A_48, %dma_wait3A_49] : memref<64x16384xf32, #tpu.memory_space<hbm>> -> memref<64x128xf32, #tpu.memory_space<hbm>>
    %dma_wait3A_51 = arith.constant 0 : i32
    %dma_wait3A_52 = arith.constant 0 : i32
    %dma_wait3A_53 = tpu.memref_slice %arg11[%dma_wait3A_40, %dma_wait3A_51, %dma_wait3A_52] : memref<2x64x128xf32, #tpu.memory_space<vmem>> -> memref<1x64x128xf32, #tpu.memory_space<vmem>>
    %dma_wait3A_54 = tpu.memref_squeeze %dma_wait3A_53 : memref<1x64x128xf32, #tpu.memory_space<vmem>> -> memref<64x128xf32, #tpu.memory_space<vmem>>
    tpu.wait_dma2 semaphore(%arg16 : memref<!tpu.dma_semaphore, #tpu.memory_space<semaphore_mem>>) src(%dma_wait3A_54 : memref<64x128xf32, #tpu.memory_space<vmem>>) dst(%dma_wait3A_50 : memref<64x128xf32, #tpu.memory_space<hbm>>)
    return
  }
}

</mosaic_0001>

<sc_bundles>
// kernel: _run.3.cloned.1.call-start
scs
__scs_entry_jumppad:
0x0: {  	(pc) =	sbr.rel $0x88, $3  }
0x1: {  	(tag) =	ssettag $0x0;
	lr =	simm.s32 $0x1  }
0x2: {  	[smem:$0x3F9B] =	sst lr;
	_ =	strace $0xD0000000  }
0x3: {  	_ = 	snop  }
0x4: {  	_ = 	snop  }
0x5: {  	_ = 	snop  }
0x6: {  	_ = 	snop  }
0x7: {  	_ = 	snop  }
__scs_overlays_trampoline_lowered:
0x8: {  	[smem:$0x3FAA] =	sst s0  }
0x9: {  	[smem:$0x3FAB] =	sst s1  }
0xa: {  	[smem:$0x3FAC] =	sst s2  }
0xb: {  	[smem:$0x3FAD] =	sst s3  }
0xc: {  	[smem:$0x3FAE] =	sst s4  }
0xd: {  	[smem:$0x3FAF] =	sst s5  }
0xe: {  	[smem:$0x3FB0] =	sst s6  }
0xf: {  	[smem:$0x3FB1] =	sst s7  }
0x10: {  	[smem:$0x3FB2] =	sst s8  }
0x11: {  	[smem:$0x3FB3] =	sst s9;
	s0 =	simm.s32 @!p0 $0x0  }
0x12: {  	s1 =	sld [smem:$0x3F99];
	s0 =	simm.s32 @p0 $0x1  }
0x13: {  	[smem:$0x3FB4] =	sst s0;
	s0 =	simm.s32 @!p1 $0x0  }
0x14: {  	s2 =	sld [smem:$0x3F98];
	s0 =	simm.s32 @p1 $0x1  }
0x15: {  	[smem:$0x3FB5] =	sst s0;
	s0 =	simm.s32 @!p2 $0x0  }
0x16: {  	s3 =	sld [smem:$0x3FDB];
	s0 =	simm.s32 @p2 $0x1  }
0x17: {  	s4 =	simm.s32 $0x1BF5;
	[smem:$0x3FB7] =	sst s0  }
0x18: {  	s0 =	sld [smem:$0x3F9A];
	_ =	swait.ge [sflag:s4], $0x0  }
0x19: {  	s7 =	sld [smem:$0x3F9B]  }
0x1a: {  	s8 =	sadd.s32 $0xFFFFE003, lr  }
0x1b: {  	s9 =	sadd.s32 $0xFFFFFEF7, lr;
	s5 =	simm.s32 $0xFFFFFFFF;
	p2 =	slt.u32 s8, $0xFFFFF086  }
0x1c: {  	p1 =	slt.u32 s9, $0xF7A;
	s5 =	simm.s32 @!p2 $0x0  }
0x1d: {  	s5 =	simm.s32 @p1 $0x1;
	p0 =	seq.s32 s7, s2  }
0x1e: {  	s7 =	smul.u32 @!p0 $0xF7A, s2;
	p2 =	seq.s32 @!p0 s5, $0x0  }
0x1f: {  	s9 =	smul.u32 $0xF7A, s1;
	s8 =	simm.s32 @!p0 $0x1BF5;
	p2 =	por !p2, p0  }
0x20: {  	[sflag:s8] =	ssyncset.s32 @!p0 $0xFFFFF086;
	s6 =	sadd.s32 @!p0 s3, s7;
	s7 =	simm.s32 @!p0 $0x108  }
0x21: {  	s3 =	sadd.s32 s3, s9;
	s6 =	sadd.s32 @!p0 $0x88, s6;
	s7 =	simm.s32 @p2 $0x1082  }
0x22: {  	[simem:s7], [sflag:s8] =	dma.local @!p0 [hbm:s6], $0xF7A  }
0x23: {  	s9 =	sor.u32 $0xD0000000, s2;
	s6 =	simm.s32 $0x108;
	_ =	swait.ge @!p0 [sflag:s8], $0x0  }
0x24: {  	s3 =	sadd.s32 $0x88, s3;
	s6 =	simm.s32 @!p1 $0x1082;
	[sflag:s4] =	ssyncset.s32 $0xFFFFF086  }
0x25: {  	[simem:s6], [sflag:s4] =	dma.local [hbm:s3], $0xF7A  }
0x26: {  	[smem:$0x3F9B] =	sst s1;
	(tag) =	ssettag s2;
	_ =	strace s9  }
0x27: {  	s1 =	sld [smem:$0x3FAB]  }
0x28: {  	s2 =	sld [smem:$0x3FAC]  }
0x29: {  	s4 =	sld [smem:$0x3FAE]  }
0x2a: {  	p0 =	seq.s32 s5, $0x0;
	s5 =	sld [smem:$0x3FAF]  }
0x2b: {  	s6 =	sld [smem:$0x3FB0]  }
0x2c: {  	s7 =	sld [smem:$0x3FB1]  }
0x2d: {  	s3 =	simm.s32 $0x108;
	s8 =	sld [smem:$0x3FB2]  }
0x2e: {  	s3 =	simm.s32 @!p0 $0x1082;
	s9 =	sld [smem:$0x3FB3]  }
0x2f: {  	lr =	sadd.s32 s0, s3;
	s0 =	sld [smem:$0x3FAA]  }
0x30: {  	s3 =	sld [smem:$0x3FAD]  }
0x31: {  	[smem:$0x3FB6] =	sst s10  }
0x32: {  	s10 =	sld [smem:$0x3FB4];
	_ =	sdelay $0x3  }
0x33: {  	p0 =	seq.s32 s10, $0x1;
	s10 =	sld [smem:$0x3FB6];
	_ =	sdelay $0x3  }
0x34: {  	[smem:$0x3FB6] =	sst s10  }
0x35: {  	s10 =	sld [smem:$0x3FB5];
	_ =	sdelay $0x3  }
0x36: {  	p1 =	seq.s32 s10, $0x1;
	s10 =	sld [smem:$0x3FB6];
	_ =	sdelay $0x3  }
0x37: {  	[smem:$0x3FB6] =	sst s10  }
0x38: {  	s10 =	sld [smem:$0x3FB7]  }
0x39: {  	_ = 	snop;
	(pc) =	sbr.ind lr, $3  }
0x3a: {  	_ = 	snop  }
0x3b: {  	_ = 	snop  }
0x3c: {  	p2 =	seq.s32 s10, $0x1;
	s10 =	sld [smem:$0x3FB6]  }
0x3d: {  	_ =	shalt  }
0x3e: {  	_ =	shalt  }
0x3f: {  	_ =	shalt  }
0x40: {  	_ =	shalt  }
0x41: {  	_ =	shalt  }
0x42: {  	_ =	shalt  }
0x43: {  	_ =	shalt  }
0x44: {  	_ =	shalt  }
0x45: {  	_ =	shalt  }
0x46: {  	_ =	shalt  }
0x47: {  	_ =	shalt  }
0x48: {  	_ =	shalt  }
0x49: {  	_ =	shalt  }
0x4a: {  	_ =	shalt  }
0x4b: {  	_ =	shalt  }
0x4c: {  	_ =	shalt  }
0x4d: {  	_ =	shalt  }
0x4e: {  	_ =	shalt  }
0x4f: {  	_ =	shalt  }
0x50: {  	_ =	shalt  }
0x51: {  	_ =	shalt  }
0x52: {  	_ =	shalt  }
0x53: {  	_ =	shalt  }
0x54: {  	_ =	shalt  }
0x55: {  	_ =	shalt  }
0x56: {  	_ =	shalt  }
0x57: {  	_ =	shalt  }
0x58: {  	_ =	shalt  }
0x59: {  	_ =	shalt  }
0x5a: {  	_ =	shalt  }
0x5b: {  	_ =	shalt  }
0x5c: {  	_ =	shalt  }
0x5d: {  	_ =	shalt  }
0x5e: {  	_ =	shalt  }
0x5f: {  	_ =	shalt  }
0x60: {  	_ =	shalt  }
0x61: {  	_ =	shalt  }
0x62: {  	_ =	shalt  }
0x63: {  	_ =	shalt  }
0x64: {  	_ =	shalt  }
0x65: {  	_ =	shalt  }
0x66: {  	_ =	shalt  }
0x67: {  	_ =	shalt  }
0x68: {  	_ =	shalt  }
0x69: {  	_ =	shalt  }
0x6a: {  	_ =	shalt  }
0x6b: {  	_ =	shalt  }
0x6c: {  	_ =	shalt  }
0x6d: {  	_ =	shalt  }
0x6e: {  	_ =	shalt  }
0x6f: {  	_ =	shalt  }
0x70: {  	_ =	shalt  }
0x71: {  	_ =	shalt  }
0x72: {  	_ =	shalt  }
0x73: {  	_ =	shalt  }
0x74: {  	_ =	shalt  }
0x75: {  	_ =	shalt  }
0x76: {  	_ =	shalt  }
0x77: {  	_ =	shalt  }
0x78: {  	_ =	shalt  }
0x79: {  	_ =	shalt  }
0x7a: {  	_ =	shalt  }
0x7b: {  	_ =	shalt  }
0x7c: {  	_ =	shalt  }
0x7d: {  	_ =	shalt  }
0x7e: {  	_ =	shalt  }
0x7f: {  	_ =	shalt  }
0x80: {  	_ =	shalt  }
0x81: {  	_ =	shalt  }
0x82: {  	_ =	shalt  }
0x83: {  	_ =	shalt  }
0x84: {  	_ =	shalt  }
0x85: {  	_ =	shalt  }
0x86: {  	_ =	shalt  }
0x87: {  	_ =	shalt  }
.Lfunc_end0:
.L_simem_size_0:
called_computation_lowered:
.L_overlay_start_0:
0x88: {  	s2 =	sld [smem:$0x3FD9]  }
0x89: {  	s3 =	sld [smem:$0x3FFE];
	_ =	sdelay $0x1  }
0x8a: {  	s1 =	srdreg.scid  }
0x8b: {  	s0 =	sand.u32 $0x1, s1  }
0x8c: {  	s18 =	sshll.u32 s0, $0xA;
	s2 =	sadd.s32 s3, s2  }
0x8d: {  	s2 =	sadd.s32 s2, s18  }
0x8e: {  	[smem:$0x3FC2] =	sst s2  }
0x8f: {  	_ = 	snop  }
0x90: {  	s2 =	sld [smem:$0x3FC9]  }
0x91: {  	s19 =	sld [smem:$0x3FC8]  }
0x92: {  	s4 =	sld [smem:$0x3FC7]  }
0x93: {  	s5 =	sld [smem:$0x3FC6]  }
0x94: {  	s6 =	sld [smem:$0x3FC5]  }
0x95: {  	s7 =	sld [smem:$0x3FC4]  }
0x96: {  	s8 =	sld [smem:$0x3FD0];
	(tm) =	ssettm $0x1  }
0x97: {  	s9 =	sld [smem:$0x3FFB];
	_ =	sdelay $0x3  }
0x98: {  	_ =	strace s9  }
0x99: {  	s9 =	sld [smem:$0x3FFC];
	_ =	sdelay $0x3  }
0x9a: {  	_ =	strace s9  }
0x9b: {  	s9 =	sld [smem:$0x3FFD];
	_ =	sdelay $0x3  }
0x9c: {  	_ =	strace s9  }
0x9d: {  	_ =	strace $0x8FFFFFFF  }
0x9e: {  	s20 =	sld [smem:$0x3FDB];
	_ =	sdelay $0x1  }
0x9f: {  	s10 =	simm.s32 $_scs_section_size  }
0xa0: {  	s11 =	simm.s32 $_size__tile_overlayer_lowered;
	s12 =	simm.s32 $_tile_overlayer_lowered  }
0xa1: {  	s23 =	simm.s32 $0x1BFF;
	s22 =	sshll.u32 s12, $0x1;
	s9 =	sadd.s32 s10, s20  }
0xa2: {  	s13 =	simm.s32 $0x0;
	s21 =	sshll.u32 s11, $0x1;
	s11 =	sadd.s32 s22, s9  }
0xa3: {  	[timem:s13], [sflag:s23] =	dma.local [hbm:s11], s21  }
0xa4: {  	_ =	swait.ge [sflag:s23], s21  }
0xa5: {  	s10 =	ssub.s32 $0x0, s21;
	[sflag:s23] =	ssyncset.done $0x0  }
0xa6: {  	[sflag:s23] =	ssyncadd.s32 s10;
	_ =	sdelay $0x1  }
0xa7: {  	s24 =	simm.s32 $0x1B8B  }
0xa8: {  	_ =	swait.ge [sflag:s24], $0x1  }
0xa9: {  	[sflag:s24] =	ssyncset.done $0x0  }
0xaa: {  	s25 =	simm.s32 $0x1B8E;
	[sflag:s24] =	ssyncadd.s32 $0xFFFFFFFF  }
0xab: {  	s26 =	simm.s32 $execute0_lowered;
	[smem:$0x3FD2] =	sst s25  }
0xac: {  	s10 =	sshll.u32 s26, $0x1;
	_ =	strace $0x80000046;
	[dreg:$0x1] =	wrdreg $0xFFFFFFFF  }
0xad: {  	s28 =	simm.s32 $_size_execute0_lowered;
	s9 =	sadd.s32 s9, s10;
	[dreg:$0x0] =	wrdreg $0x0  }
0xae: {  	s10 =	sshll.u32 s28, $0x1;
	[dreg:$0x2] =	wrdreg s9  }
0xaf: {  	[dreg:$0x3] =	wrdreg s10  }
0xb0: {  	[dreg:$0x4] =	wrdreg $0xC0  }
0xb1: {  	_ =	task [dreg:s13], $0x5FFFF  }
0xb2: {  	[dreg:$0x1] =	wrdreg $0xFFFFFFFF  }
0xb3: {  	[dreg:$0x0] =	wrdreg $0x60  }
0xb4: {  	[dreg:$0x2] =	wrdreg s2  }
0xb5: {  	[dreg:$0x3] =	wrdreg s19  }
0xb6: {  	[dreg:$0x4] =	wrdreg s4  }
0xb7: {  	[dreg:$0x5] =	wrdreg s5  }
0xb8: {  	[dreg:$0x6] =	wrdreg s6  }
0xb9: {  	[dreg:$0x7] =	wrdreg s7  }
0xba: {  	[dreg:$0x8] =	wrdreg s8  }
0xbb: {  	[dreg:$0x9] =	wrdreg $0x9  }
0xbc: {  	_ =	task.clear_ibuf [dreg:s13], $0xAFFFF;
	_ =	strace $0x90000046  }
0xbd: {  	s29 =	simm.s32 $0x9;
	_ =	strace $0x80000048  }
0xbe: {  	_ =	swait.ge [sflag:s29], $0x1  }
0xbf: {  	[sflag:s29] =	ssyncadd.s32 $0xFFFFFFFF  }
0xc0: {  	_ =	strace $0x90000048  }
0xc1: {  	_ =	sfence  }
0xc2: {  	s30 =	sld [smem:$0x0];
	_ =	sdelay $0x2  }
0xc3: {  	s31 =	sshll.u32 s1, $0xD;
	s1 =	sshrl.u32 s1, $0x2  }
0xc4: {  	s3 =	sand.u32 $0x4000, s31;
	s1 =	sadd.s32 s1, s30  }
0xc5: {  	s0 =	sor.u32 s3, s0;
	s1 =	sshll.u32 s1, $0x11  }
0xc6: {  	s0 =	sor.u32 s1, s0  }
0xc7: {  	s0 =	sadd.s32 $0x8F2B, s0  }
0xc8: {  	[sflag:s0] =	ssyncadd.remote.s32 $0x1  }
0xc9: {  	_ =	sfence.sel $0xFFFF  }
0xca: {  	[dreg:$0x0] =	wrdreg $0xFFFFFFFF;
	(pc) =	sbr.abs _section_cstart, $3  }
0xcb: {  	[dreg:$0x1] =	wrdreg $0xFFFFFFFF  }
0xcc: {  	_ =	task.clear_ibuf [dreg:s13], $0x2FFFF;
	_ =	strace $0x9FFFFFFF  }
0xcd: {  	(tm) =	ssettm $0x7FFFFFFF  }
tec
execute0_lowered:
.L_overlay_start_1:
0x0: {  	(tag) =	ssettag $0x1  }
0x1: {  	vm14 =	vcmask $0x300;
	v0 =	vimm.s32 $0x1803  }
0x2: {  	vm11 =	vcmask $0xB08;
	vm15 =	vcmask $0x704;
	vm10 =	vcmask $0x1310  }
0x3: {  	vm13 =	vcmask $0xF0C;
	vm8 =	vcmask $0x1B18;
	vm12 =	vcmask $0x1714  }
0x4: {  	vm6 =	vcmask $0x2320;
	vm9 =	vcmask $0x1F1C;
	v1 =	vlaneseq.u32  }
0x5: {  	vm4 =	vcmask $0x2B28;
	vm7 =	vcmask $0x2724;
	vm2 =	vcmask $0x3330  }
0x6: {  	vm5 =	vcmask $0x2F2C;
	vm1 =	vcmask $0x3B38;
	vm3 =	vcmask $0x3734  }
0x7: {  	v3 =	vimm.s32 $0x1883;
	v5 =	vimm.s32 $0x1903;
	v6 =	vimm.s32 $0x1983  }
0x8: {  	v9 =	vimm.s32 $0x1A03;
	v11 =	vimm.s32 $0x1A83;
	v12 =	vimm.s32 $0x1B03  }
0x9: {  	v15 =	vimm.s32 $0x1B83;
	v17 =	vimm.s32 $0x1C03;
	v18 =	vimm.s32 $0x1C83  }
0xa: {  	v21 =	vimm.s32 $0x1D03;
	v23 =	vimm.s32 $0x1D83;
	v24 =	vimm.s32 $0x1E03  }
0xb: {  	v28 =	vimm.s32 $0x1E83;
	v29 =	vimm.s32 $0x1F03;
	v30 =	vimm.s32 $0x1F83  }
0xc: {  	v0 =	vsel vm14, $0x0, v0;
	vm0 =	vmor vm14, vm11;
	v4 =	vsel vm14, $0x80, v3  }
0xd: {  	v5 =	vsel vm14, $0x100, v5;
	v6 =	vsel vm14, $0x180, v6;
	v10 =	vsel vm14, $0x200, v9  }
0xe: {  	v11 =	vsel vm14, $0x280, v11;
	v12 =	vsel vm14, $0x300, v12;
	v16 =	vsel vm14, $0x380, v15  }
0xf: {  	v17 =	vsel vm14, $0x400, v17;
	v18 =	vsel vm14, $0x480, v18;
	v22 =	vsel vm14, $0x500, v21  }
0x10: {  	v23 =	vsel vm14, $0x580, v23;
	v24 =	vsel vm14, $0x600, v24;
	v28 =	vsel vm14, $0x680, v28  }
0x11: {  	v29 =	vsel vm14, $0x700, v29;
	v30 =	vsel vm14, $0x780, v30;
	v0 =	vsel vm15, $0x800, v0  }
0x12: {  	vm0 =	vmor vm0, vm10;
	v4 =	vsel vm15, $0x880, v4;
	v5 =	vsel vm15, $0x900, v5  }
0x13: {  	v6 =	vsel vm15, $0x980, v6;
	v10 =	vsel vm15, $0xA00, v10;
	v11 =	vsel vm15, $0xA80, v11  }
0x14: {  	v12 =	vsel vm15, $0xB00, v12;
	v16 =	vsel vm15, $0xB80, v16;
	v17 =	vsel vm15, $0xC00, v17  }
0x15: {  	v18 =	vsel vm15, $0xC80, v18;
	v22 =	vsel vm15, $0xD00, v22;
	v23 =	vsel vm15, $0xD80, v23  }
0x16: {  	v24 =	vsel vm15, $0xE00, v24;
	v28 =	vsel vm15, $0xE80, v28;
	v29 =	vsel vm15, $0xF00, v29  }
0x17: {  	v30 =	vsel vm15, $0xF80, v30;
	v0 =	vsel vm11, $0x1000, v0;
	vm0 =	vmor vm0, vm8  }
0x18: {  	v4 =	vsel vm11, $0x1080, v4;
	v5 =	vsel vm11, $0x1100, v5;
	v6 =	vsel vm11, $0x1180, v6  }
0x19: {  	v10 =	vsel vm11, $0x1200, v10;
	v11 =	vsel vm11, $0x1280, v11;
	v12 =	vsel vm11, $0x1300, v12  }
0x1a: {  	v16 =	vsel vm11, $0x1380, v16;
	v17 =	vsel vm11, $0x1400, v17;
	v18 =	vsel vm11, $0x1480, v18  }
0x1b: {  	v22 =	vsel vm11, $0x1500, v22;
	v23 =	vsel vm11, $0x1580, v23;
	v24 =	vsel vm11, $0x1600, v24  }
0x1c: {  	v28 =	vsel vm11, $0x1680, v28;
	v29 =	vsel vm11, $0x1700, v29;
	v30 =	vsel vm11, $0x1780, v30  }
0x1d: {  	v0 =	vsel vm13, $0x1800, v0;
	vm0 =	vmor vm0, vm6;
	v4 =	vsel vm13, $0x1880, v4  }
0x1e: {  	v5 =	vsel vm13, $0x1900, v5;
	v6 =	vsel vm13, $0x1980, v6;
	v10 =	vsel vm13, $0x1A00, v10  }
0x1f: {  	v11 =	vsel vm13, $0x1A80, v11;
	v12 =	vsel vm13, $0x1B00, v12;
	v16 =	vsel vm13, $0x1B80, v16  }
0x20: {  	v17 =	vsel vm13, $0x1C00, v17;
	v18 =	vsel vm13, $0x1C80, v18;
	v22 =	vsel vm13, $0x1D00, v22  }
0x21: {  	v23 =	vsel vm13, $0x1D80, v23;
	v24 =	vsel vm13, $0x1E00, v24;
	v28 =	vsel vm13, $0x1E80, v28  }
0x22: {  	v29 =	vsel vm13, $0x1F00, v29;
	v30 =	vsel vm13, $0x1F80, v30;
	v0 =	vsel vm10, $0x1, v0  }
0x23: {  	vm0 =	vmor vm0, vm4;
	v4 =	vsel vm10, $0x81, v4;
	v5 =	vsel vm10, $0x101, v5  }
0x24: {  	v6 =	vsel vm10, $0x181, v6;
	v10 =	vsel vm10, $0x201, v10;
	v11 =	vsel vm10, $0x281, v11  }
0x25: {  	v12 =	vsel vm10, $0x301, v12;
	v16 =	vsel vm10, $0x381, v16;
	v17 =	vsel vm10, $0x401, v17  }
0x26: {  	v18 =	vsel vm10, $0x481, v18;
	v22 =	vsel vm10, $0x501, v22;
	v23 =	vsel vm10, $0x581, v23  }
0x27: {  	v24 =	vsel vm10, $0x601, v24;
	v28 =	vsel vm10, $0x681, v28;
	v29 =	vsel vm10, $0x701, v29  }
0x28: {  	v30 =	vsel vm10, $0x781, v30;
	v0 =	vsel vm12, $0x801, v0;
	vm0 =	vmor vm0, vm2  }
0x29: {  	v4 =	vsel vm12, $0x881, v4;
	v5 =	vsel vm12, $0x901, v5;
	v6 =	vsel vm12, $0x981, v6  }
0x2a: {  	v10 =	vsel vm12, $0xA01, v10;
	v11 =	vsel vm12, $0xA81, v11;
	v12 =	vsel vm12, $0xB01, v12  }
0x2b: {  	v16 =	vsel vm12, $0xB81, v16;
	v17 =	vsel vm12, $0xC01, v17;
	v18 =	vsel vm12, $0xC81, v18  }
0x2c: {  	v22 =	vsel vm12, $0xD01, v22;
	v23 =	vsel vm12, $0xD81, v23;
	v24 =	vsel vm12, $0xE01, v24  }
0x2d: {  	v28 =	vsel vm12, $0xE81, v28;
	v29 =	vsel vm12, $0xF01, v29;
	v30 =	vsel vm12, $0xF81, v30  }
0x2e: {  	v0 =	vsel vm8, $0x1001, v0;
	vm0 =	vmor vm0, vm1;
	v4 =	vsel vm8, $0x1081, v4  }
0x2f: {  	v5 =	vsel vm8, $0x1101, v5;
	v6 =	vsel vm8, $0x1181, v6;
	v10 =	vsel vm8, $0x1201, v10  }
0x30: {  	v11 =	vsel vm8, $0x1281, v11;
	v12 =	vsel vm8, $0x1301, v12;
	v16 =	vsel vm8, $0x1381, v16  }
0x31: {  	v17 =	vsel vm8, $0x1401, v17;
	v18 =	vsel vm8, $0x1481, v18;
	v22 =	vsel vm8, $0x1501, v22  }
0x32: {  	v23 =	vsel vm8, $0x1581, v23;
	v24 =	vsel vm8, $0x1601, v24;
	v28 =	vsel vm8, $0x1681, v28  }
0x33: {  	v29 =	vsel vm8, $0x1701, v29;
	v30 =	vsel vm8, $0x1781, v30;
	v0 =	vsel vm9, $0x1801, v0  }
0x34: {  	v4 =	vsel vm9, $0x1881, v4;
	v5 =	vsel vm9, $0x1901, v5;
	v6 =	vsel vm9, $0x1981, v6  }
0x35: {  	v10 =	vsel vm9, $0x1A01, v10;
	v11 =	vsel vm9, $0x1A81, v11;
	v12 =	vsel vm9, $0x1B01, v12  }
0x36: {  	v16 =	vsel vm9, $0x1B81, v16;
	v17 =	vsel vm9, $0x1C01, v17;
	v18 =	vsel vm9, $0x1C81, v18  }
0x37: {  	v22 =	vsel vm9, $0x1D01, v22;
	v23 =	vsel vm9, $0x1D81, v23;
	v24 =	vsel vm9, $0x1E01, v24  }
0x38: {  	v28 =	vsel vm9, $0x1E81, v28;
	v29 =	vsel vm9, $0x1F01, v29;
	v30 =	vsel vm9, $0x1F81, v30  }
0x39: {  	v2 =	vsel vm6, $0x2, v0;
	v0 =	vshrl.u32 v1, $0x2;
	v1 =	vmul.u32 $0x800, v1  }
0x3a: {  	v4 =	vsel vm6, $0x82, v4;
	v5 =	vsel vm6, $0x102, v5;
	v6 =	vsel vm6, $0x182, v6  }
0x3b: {  	v10 =	vsel vm6, $0x202, v10;
	v11 =	vsel vm6, $0x282, v11;
	v12 =	vsel vm6, $0x302, v12  }
0x3c: {  	v16 =	vsel vm6, $0x382, v16;
	v17 =	vsel vm6, $0x402, v17;
	v18 =	vsel vm6, $0x482, v18  }
0x3d: {  	v22 =	vsel vm6, $0x502, v22;
	v23 =	vsel vm6, $0x582, v23;
	v24 =	vsel vm6, $0x602, v24  }
0x3e: {  	v28 =	vsel vm6, $0x682, v28;
	v29 =	vsel vm6, $0x702, v29;
	v30 =	vsel vm6, $0x782, v30  }
0x3f: {  	v2 =	vsel vm7, $0x802, v2;
	v4 =	vsel vm7, $0x882, v4;
	v5 =	vsel vm7, $0x902, v5  }
0x40: {  	v6 =	vsel vm7, $0x982, v6;
	v10 =	vsel vm7, $0xA02, v10;
	v11 =	vsel vm7, $0xA82, v11  }
0x41: {  	v12 =	vsel vm7, $0xB02, v12;
	v16 =	vsel vm7, $0xB82, v16;
	v17 =	vsel vm7, $0xC02, v17  }
0x42: {  	v18 =	vsel vm7, $0xC82, v18;
	v22 =	vsel vm7, $0xD02, v22;
	v23 =	vsel vm7, $0xD82, v23  }
0x43: {  	v24 =	vsel vm7, $0xE02, v24;
	v28 =	vsel vm7, $0xE82, v28;
	v29 =	vsel vm7, $0xF02, v29  }
0x44: {  	v30 =	vsel vm7, $0xF82, v30;
	v2 =	vsel vm4, $0x1002, v2;
	v3 =	vor.u32 $0x80, v1  }
0x45: {  	v4 =	vsel vm4, $0x1082, v4;
	v5 =	vsel vm4, $0x1102, v5;
	v6 =	vsel vm4, $0x1182, v6  }
0x46: {  	v9 =	vor.u32 $0x200, v1;
	v10 =	vsel vm4, $0x1202, v10;
	v11 =	vsel vm4, $0x1282, v11  }
0x47: {  	v12 =	vsel vm4, $0x1302, v12;
	v15 =	vor.u32 $0x380, v1;
	v16 =	vsel vm4, $0x1382, v16  }
0x48: {  	v17 =	vsel vm4, $0x1402, v17;
	v18 =	vsel vm4, $0x1482, v18;
	v21 =	vor.u32 $0x500, v1  }
0x49: {  	v22 =	vsel vm4, $0x1502, v22;
	v23 =	vsel vm4, $0x1582, v23;
	v24 =	vsel vm4, $0x1602, v24  }
0x4a: {  	v27 =	vor.u32 $0x680, v1;
	v28 =	vsel vm4, $0x1682, v28;
	v29 =	vsel vm4, $0x1702, v29  }
0x4b: {  	v30 =	vsel vm4, $0x1782, v30;
	v2 =	vsel vm5, $0x1802, v2;
	v4 =	vsel vm5, $0x1882, v4  }
0x4c: {  	v5 =	vsel vm5, $0x1902, v5;
	v8 =	vsel vm5, $0x1982, v6;
	v10 =	vsel vm5, $0x1A02, v10  }
0x4d: {  	v11 =	vsel vm5, $0x1A82, v11;
	v14 =	vsel vm5, $0x1B02, v12;
	v16 =	vsel vm5, $0x1B82, v16  }
0x4e: {  	v17 =	vsel vm5, $0x1C02, v17;
	v20 =	vsel vm5, $0x1C82, v18;
	v22 =	vsel vm5, $0x1D02, v22  }
0x4f: {  	v23 =	vsel vm5, $0x1D82, v23;
	v26 =	vsel vm5, $0x1E02, v24;
	v28 =	vsel vm5, $0x1E82, v28  }
0x50: {  	v29 =	vsel vm5, $0x1F02, v29;
	v30 =	vsel vm5, $0x1F82, v30;
	v2 =	vsel vm2, $0x3, v2  }
0x51: {  	v4 =	vsel vm2, $0x83, v4;
	v5 =	vsel vm2, $0x103, v5;
	v8 =	vsel vm2, $0x183, v8  }
0x52: {  	v10 =	vsel vm2, $0x203, v10;
	v11 =	vsel vm2, $0x283, v11;
	v14 =	vsel vm2, $0x303, v14  }
0x53: {  	v16 =	vsel vm2, $0x383, v16;
	v17 =	vsel vm2, $0x403, v17;
	v20 =	vsel vm2, $0x483, v20  }
0x54: {  	v22 =	vsel vm2, $0x503, v22;
	v23 =	vsel vm2, $0x583, v23;
	v26 =	vsel vm2, $0x603, v26  }
0x55: {  	s9 =	rddreg [dreg:$0x0];
	v28 =	vsel vm2, $0x683, v28;
	v31 =	vsel vm2, $0x703, v29;
	v30 =	vsel vm2, $0x783, v30  }
0x56: {  	s10 =	rddreg [dreg:$0x1];
	v29 =	vor.u32 $0x700, v1;
	v2 =	vsel vm3, $0x803, v2;
	v4 =	vsel vm3, $0x883, v4  }
0x57: {  	s0 =	rddreg [dreg:$0x2];
	v7 =	vsel vm3, $0x903, v5;
	v5 =	vor.u32 $0x100, v1;
	v8 =	vsel vm3, $0x983, v8  }
0x58: {  	s1 =	rddreg [dreg:$0x3];
	v10 =	vsel vm3, $0xA03, v10;
	v13 =	vsel vm3, $0xA83, v11;
	v11 =	vor.u32 $0x280, v1  }
0x59: {  	s2 =	rddreg [dreg:$0x4];
	v14 =	vsel vm3, $0xB03, v14;
	v16 =	vsel vm3, $0xB83, v16;
	v19 =	vsel vm3, $0xC03, v17  }
0x5a: {  	s3 =	rddreg [dreg:$0x5];
	v17 =	vor.u32 $0x400, v1;
	v20 =	vsel vm3, $0xC83, v20;
	v22 =	vsel vm3, $0xD03, v22  }
0x5b: {  	s5 =	rddreg [dreg:$0x6];
	v25 =	vsel vm3, $0xD83, v23;
	v23 =	vor.u32 $0x580, v1;
	v26 =	vsel vm3, $0xE03, v26  }
0x5c: {  	s7 =	srdreg.scid;
	s4 =	rddreg [dreg:$0x7];
	v28 =	vsel vm3, $0xE83, v28;
	v31 =	vsel vm3, $0xF03, v31;
	v32 =	vsel vm3, $0xF83, v30  }
0x5d: {  	s6 =	stileid.u32;
	s14 =	simm.s32 $0x1;
	s15 =	simm.s32 $0x2;
	v2 =	vsel vm1, $0x1003, v2;
	v4 =	vsel vm1, $0x1083, v4;
	v6 =	vsel vm1, $0x1103, v7  }
0x5e: {  	s16 =	simm.s32 $0x0;
	s8 =	sand.u32 $0x1, s7;
	s7 =	simm.s32 $0x0;
	v7 =	vor.u32 $0x180, v1;
	v8 =	vsel vm1, $0x1183, v8;
	v10 =	vsel vm1, $0x1203, v10  }
.Ltmp0:
0x5f: {  	s11 =	sshll.u32 s6, $0xA;
	s12 =	sshll.u32 s8, $0x9;
	v12 =	vsel vm1, $0x1283, v13;
	v13 =	vor.u32 $0x300, v1;
	v14 =	vsel vm1, $0x1303, v14;
	(pc) =	sbr.rel .LBB2_1-.Ltmp0, $4  }
0x60: {  	[smem:$0x7FF] =	sst s7;
	s13 =	ssub.s32 $0x2, s8;
	s8 =	sor.u32 s12, s11;
	v16 =	vsel vm1, $0x1383, v16;
	v18 =	vsel vm1, $0x1403, v19;
	v19 =	vor.u32 $0x480, v1  }
0x61: {  	_ =	strace $0x80000047;
	s31 =	sshrl.u32 s13, $0x1;
	s12 =	sshrl.u32 s8, $0x3;
	v20 =	vsel vm1, $0x1483, v20;
	v22 =	vsel vm1, $0x1503, v22;
	v24 =	vsel vm1, $0x1583, v25  }
0x62: {  	s11 =	ssub.s32 s13, s31;
	s13 =	simm.s32 $0x200;
	s9 =	sadd.s32 s9, s12;
	v25 =	vor.u32 $0x600, v1;
	v26 =	vsel vm1, $0x1603, v26;
	v28 =	vsel vm1, $0x1683, v28  }
0x63: {  	s10 =	sadd.s32 s10, s12;
	s11 =	smax.u32 s11, $0x1;
	s12 =	simm.s32 $0x3;
	v30 =	vsel vm1, $0x1703, v31;
	v31 =	vor.u32 $0x780, v1;
	v32 =	vsel vm1, $0x1783, v32  }
.LBB2_7:
0x64: {  	s16 =	sadd.s32 $0x1, s16  }
0x65: {  	_ =	swait.ge [sflag:s15], $0x2000;
	p0 =	sne.s32 s16, s11  }
.Ltmp1:
0x66: {  	[sflag:s15] =	ssyncset.done $0x0;
	(pc) =	sbr.rel @!p0 .LBB2_8-.Ltmp1, $4  }
0x67: {  	[sflag:s15] =	ssyncadd.s32 $0xFFFFE000  }
0x68: {  	_ =	swait.ge [sflag:s15], $0x2000  }
0x69: {  	[sflag:s15] =	ssyncset.done $0x0  }
0x6a: {  	[sflag:s15] =	ssyncadd.s32 $0xFFFFE000  }
.LBB2_1:
0x6b: {  	[tilespmem:s7], [sflag:$0x3] =	stream.linear.gather [hbm4b:s9+s7], $0x200, $0x38;
	[tilespmem:$0x1C400] =	vst v63  }
0x6c: {  	_ =	swait.ge [sflag:s12], $0x200  }
0x6d: {  	[sflag:s12] =	ssyncset.done $0x0  }
0x6e: {  	[sflag:s12] =	ssyncadd.s32 $0xFFFFFE00  }
0x6f: {  	[tilespmem:s13], [sflag:$0x3] =	stream.linear.gather [hbm4b:s10+s7], $0x200, $0x38;
	[tilespmem:$0x1C400] =	vst v63  }
0x70: {  	_ =	swait.ge [sflag:s12], $0x200  }
0x71: {  	[sflag:s12] =	ssyncset.done $0x0  }
0x72: {  	s17 =	simm.s32 $0x0;
	[sflag:s12] =	ssyncadd.s32 $0xFFFFFE00  }
0x73: {  	v35 =	vld [tilespmem:s17+$0x0]  }
0x74: {  	v36 =	vld [tilespmem:s17+$0x200];
	_ =	sdelay $0x3  }
0x75: {  	(v2sf) =	vpush v35, $0x0  }
0x76: {  	(v2sf) =	vpush v36, $0x0;
	_ =	sdelay $0x1  }
0x77: {  	(v2sf) =	vpush v35, $0x1  }
0x78: {  	(v2sf) =	vpush v36, $0x1  }
0x79: {  	(v2sf) =	vpush v35, $0x2  }
0x7a: {  	(v2sf) =	vpush v36, $0x2  }
0x7b: {  	(v2sf) =	vpush v35, $0x3  }
0x7c: {  	(v2sf) =	vpush v36, $0x3  }
0x7d: {  	(v2sf) =	vpush v35, $0x4  }
0x7e: {  	(v2sf) =	vpush v36, $0x4  }
0x7f: {  	(v2sf) =	vpush v35, $0x5  }
0x80: {  	(v2sf) =	vpush v36, $0x5  }
0x81: {  	(v2sf) =	vpush v35, $0x6  }
0x82: {  	(v2sf) =	vpush v36, $0x6  }
0x83: {  	(v2sf) =	vpush v35, $0x7;
	s18 =	spop (v2sf)  }
0x84: {  	(v2sf) =	vpush v36, $0x7;
	[smem:s17] =	sst s18;
	s31 =	spop (v2sf)  }
0x85: {  	(v2sf) =	vpush v35, $0x8;
	[smem:$0x200] =	sst s31  }
0x86: {  	s18 =	spop (v2sf)  }
0x87: {  	(v2sf) =	vpush v36, $0x8;
	[smem:$0x1] =	sst s18  }
0x88: {  	s18 =	spop (v2sf)  }
0x89: {  	(v2sf) =	vpush v35, $0x9;
	[smem:$0x201] =	sst s18  }
0x8a: {  	s18 =	spop (v2sf)  }
0x8b: {  	(v2sf) =	vpush v36, $0x9;
	[smem:$0x2] =	sst s18  }
0x8c: {  	s18 =	spop (v2sf)  }
0x8d: {  	(v2sf) =	vpush v35, $0xA;
	[smem:$0x202] =	sst s18  }
0x8e: {  	s18 =	spop (v2sf)  }
0x8f: {  	(v2sf) =	vpush v36, $0xA;
	[smem:$0x3] =	sst s18  }
0x90: {  	s18 =	spop (v2sf)  }
0x91: {  	(v2sf) =	vpush v35, $0xB;
	[smem:$0x203] =	sst s18  }
0x92: {  	s18 =	spop (v2sf)  }
0x93: {  	(v2sf) =	vpush v36, $0xB;
	[smem:$0x4] =	sst s18  }
0x94: {  	s18 =	spop (v2sf)  }
0x95: {  	(v2sf) =	vpush v35, $0xC;
	[smem:$0x204] =	sst s18  }
0x96: {  	s18 =	spop (v2sf)  }
0x97: {  	(v2sf) =	vpush v36, $0xC;
	[smem:$0x5] =	sst s18  }
0x98: {  	s19 =	spop (v2sf)  }
0x99: {  	(v2sf) =	vpush v35, $0xD;
	[smem:$0x205] =	sst s19  }
0x9a: {  	s18 =	simm.s32 $0x10;
	s19 =	spop (v2sf)  }
0x9b: {  	(v2sf) =	vpush v36, $0xD;
	v33 =	vld [tilespmem:s18+$0x0];
	[smem:$0x6] =	sst s19  }
0x9c: {  	s19 =	spop (v2sf)  }
0x9d: {  	(v2sf) =	vpush v35, $0xE;
	v34 =	vld [tilespmem:s18+$0x200];
	[smem:$0x206] =	sst s19  }
0x9e: {  	s19 =	spop (v2sf)  }
0x9f: {  	(v2sf) =	vpush v36, $0xE;
	[smem:$0x7] =	sst s19  }
0xa0: {  	s19 =	spop (v2sf)  }
0xa1: {  	(v2sf) =	vpush v35, $0xF;
	[smem:$0x207] =	sst s19  }
0xa2: {  	s19 =	spop (v2sf)  }
0xa3: {  	(v2sf) =	vpush v36, $0xF;
	[smem:$0x8] =	sst s19  }
0xa4: {  	s19 =	spop (v2sf)  }
0xa5: {  	(v2sf) =	vpush v33, $0x0;
	[smem:$0x208] =	sst s19  }
0xa6: {  	s19 =	spop (v2sf)  }
0xa7: {  	(v2sf) =	vpush v34, $0x0;
	[smem:$0x9] =	sst s19  }
0xa8: {  	s19 =	spop (v2sf)  }
0xa9: {  	(v2sf) =	vpush v33, $0x1;
	[smem:$0x209] =	sst s19  }
0xaa: {  	s19 =	spop (v2sf)  }
0xab: {  	(v2sf) =	vpush v34, $0x1;
	[smem:$0xA] =	sst s19  }
0xac: {  	s19 =	spop (v2sf)  }
0xad: {  	(v2sf) =	vpush v33, $0x2;
	[smem:$0x20A] =	sst s19  }
0xae: {  	s19 =	spop (v2sf)  }
0xaf: {  	(v2sf) =	vpush v34, $0x2;
	[smem:$0xB] =	sst s19  }
0xb0: {  	s19 =	spop (v2sf)  }
0xb1: {  	(v2sf) =	vpush v33, $0x3;
	[smem:$0x20B] =	sst s19  }
0xb2: {  	s19 =	spop (v2sf)  }
0xb3: {  	(v2sf) =	vpush v34, $0x3;
	[smem:$0xC] =	sst s19  }
0xb4: {  	s19 =	spop (v2sf)  }
0xb5: {  	(v2sf) =	vpush v33, $0x4;
	[smem:$0x20C] =	sst s19  }
0xb6: {  	s19 =	spop (v2sf)  }
0xb7: {  	(v2sf) =	vpush v34, $0x4;
	[smem:$0xD] =	sst s19  }
0xb8: {  	s19 =	spop (v2sf)  }
0xb9: {  	(v2sf) =	vpush v33, $0x5;
	[smem:$0x20D] =	sst s19  }
0xba: {  	s19 =	spop (v2sf)  }
0xbb: {  	(v2sf) =	vpush v34, $0x5;
	[smem:$0xE] =	sst s19  }
0xbc: {  	s19 =	spop (v2sf)  }
0xbd: {  	(v2sf) =	vpush v33, $0x6;
	[smem:$0x20E] =	sst s19  }
0xbe: {  	s19 =	spop (v2sf)  }
0xbf: {  	(v2sf) =	vpush v34, $0x6;
	[smem:$0xF] =	sst s19  }
0xc0: {  	s19 =	simm.s32 $0x80;
	s20 =	spop (v2sf)  }
.LBB2_2:
0xc1: {  	p0 =	sne.s32 s19, $0x7C0;
	[smem:s17+$0x20F] =	sst s20  }
0xc2: {  	(v2sf) =	vpush v33, $0x7;
	s20 =	smov.u32 s19;
	s19 =	sadd.s32 $0x40, s19;
	s17 =	smov.u32 s18  }
0xc3: {  	s18 =	spop (v2sf);
	(v2sf) =	vpush v34, $0x7  }
0xc4: {  	[smem:s17] =	sst s18;
	s18 =	spop (v2sf);
	(v2sf) =	vpush v33, $0x8  }
0xc5: {  	[smem:s17+$0x200] =	sst s18;
	s18 =	spop (v2sf);
	(v2sf) =	vpush v34, $0x8  }
0xc6: {  	[smem:s17+$0x1] =	sst s18;
	s18 =	spop (v2sf);
	(v2sf) =	vpush v33, $0x9  }
0xc7: {  	[smem:s17+$0x201] =	sst s18;
	s18 =	spop (v2sf);
	(v2sf) =	vpush v34, $0x9  }
0xc8: {  	[smem:s17+$0x2] =	sst s18;
	s18 =	spop (v2sf);
	(v2sf) =	vpush v33, $0xA  }
0xc9: {  	[smem:s17+$0x202] =	sst s18;
	s18 =	spop (v2sf);
	(v2sf) =	vpush v34, $0xA  }
0xca: {  	[smem:s17+$0x3] =	sst s18;
	s18 =	spop (v2sf);
	(v2sf) =	vpush v33, $0xB  }
0xcb: {  	[smem:s17+$0x203] =	sst s18;
	s18 =	spop (v2sf);
	(v2sf) =	vpush v34, $0xB  }
0xcc: {  	[smem:s17+$0x4] =	sst s18;
	s18 =	spop (v2sf);
	(v2sf) =	vpush v33, $0xC  }
0xcd: {  	[smem:s17+$0x204] =	sst s18;
	s18 =	spop (v2sf);
	(v2sf) =	vpush v34, $0xC  }
0xce: {  	[smem:s17+$0x5] =	sst s18;
	s21 =	spop (v2sf);
	(v2sf) =	vpush v33, $0xD  }
0xcf: {  	s18 =	sshra.s32 s20, $0x2;
	[smem:s17+$0x205] =	sst s21;
	s20 =	spop (v2sf);
	(v2sf) =	vpush v34, $0xD  }
0xd0: {  	v35 =	vld [tilespmem:s18+$0x0];
	[smem:s17+$0x6] =	sst s20;
	s20 =	spop (v2sf);
	(v2sf) =	vpush v33, $0xE  }
0xd1: {  	v36 =	vld [tilespmem:s18+$0x200];
	[smem:s17+$0x206] =	sst s20;
	s20 =	spop (v2sf);
	(v2sf) =	vpush v34, $0xE  }
0xd2: {  	[smem:s17+$0x7] =	sst s20;
	s20 =	spop (v2sf);
	(v2sf) =	vpush v33, $0xF  }
0xd3: {  	[smem:s17+$0x207] =	sst s20;
	s20 =	spop (v2sf);
	(v2sf) =	vpush v34, $0xF  }
0xd4: {  	[smem:s17+$0x8] =	sst s20;
	s20 =	spop (v2sf)  }
0xd5: {  	(v2sf) =	vpush v35, $0x0;
	[smem:s17+$0x208] =	sst s20;
	s20 =	spop (v2sf);
	v33 =	vmov v35  }
0xd6: {  	(v2sf) =	vpush v36, $0x0;
	[smem:s17+$0x9] =	sst s20;
	s20 =	spop (v2sf);
	v34 =	vmov v36  }
0xd7: {  	(v2sf) =	vpush v33, $0x1;
	[smem:s17+$0x209] =	sst s20;
	s20 =	spop (v2sf)  }
0xd8: {  	(v2sf) =	vpush v34, $0x1;
	[smem:s17+$0xA] =	sst s20;
	s20 =	spop (v2sf)  }
0xd9: {  	(v2sf) =	vpush v33, $0x2;
	[smem:s17+$0x20A] =	sst s20;
	s20 =	spop (v2sf)  }
0xda: {  	(v2sf) =	vpush v34, $0x2;
	[smem:s17+$0xB] =	sst s20;
	s20 =	spop (v2sf)  }
0xdb: {  	(v2sf) =	vpush v33, $0x3;
	[smem:s17+$0x20B] =	sst s20;
	s20 =	spop (v2sf)  }
0xdc: {  	(v2sf) =	vpush v34, $0x3;
	[smem:s17+$0xC] =	sst s20;
	s20 =	spop (v2sf)  }
0xdd: {  	(v2sf) =	vpush v33, $0x4;
	[smem:s17+$0x20C] =	sst s20;
	s20 =	spop (v2sf)  }
0xde: {  	[smem:s17+$0xD] =	sst s20  }
.Ltmp2:
0xdf: {  	(v2sf) =	vpush v34, $0x4;
	s20 =	spop (v2sf);
	(pc) =	sbr.rel @p0 .LBB2_2-.Ltmp2, $4  }
0xe0: {  	(v2sf) =	vpush v33, $0x5;
	[smem:s17+$0x20D] =	sst s20;
	s20 =	spop (v2sf)  }
0xe1: {  	(v2sf) =	vpush v34, $0x5;
	[smem:s17+$0xE] =	sst s20;
	s20 =	spop (v2sf)  }
0xe2: {  	(v2sf) =	vpush v33, $0x6;
	[smem:s17+$0x20E] =	sst s20;
	s20 =	spop (v2sf)  }
0xe3: {  	(v2sf) =	vpush v34, $0x6;
	[smem:s17+$0xF] =	sst s20;
	s20 =	spop (v2sf)  }
0xe4: {  	(v2sf) =	vpush v33, $0x7  }
0xe5: {  	[smem:s17+$0x20F] =	sst s20;
	s23 =	spop (v2sf);
	(v2sf) =	vpush v34, $0x7  }
0xe6: {  	[smem:s18] =	sst s23;
	s24 =	spop (v2sf);
	(v2sf) =	vpush v33, $0x8  }
0xe7: {  	[smem:s18+$0x200] =	sst s24;
	s25 =	spop (v2sf);
	(v2sf) =	vpush v34, $0x8  }
0xe8: {  	[smem:s18+$0x1] =	sst s25;
	s26 =	spop (v2sf);
	(v2sf) =	vpush v33, $0x9  }
0xe9: {  	[smem:s18+$0x201] =	sst s26;
	s28 =	spop (v2sf);
	(v2sf) =	vpush v34, $0x9  }
0xea: {  	[smem:s18+$0x2] =	sst s28;
	s29 =	spop (v2sf);
	(v2sf) =	vpush v33, $0xA  }
0xeb: {  	[smem:s18+$0x202] =	sst s29;
	s30 =	spop (v2sf);
	(v2sf) =	vpush v34, $0xA  }
0xec: {  	[smem:s18+$0x3] =	sst s30;
	s31 =	spop (v2sf);
	(v2sf) =	vpush v33, $0xB  }
0xed: {  	[smem:s18+$0x203] =	sst s31;
	s19 =	spop (v2sf);
	(v2sf) =	vpush v34, $0xB  }
0xee: {  	[smem:s18+$0x4] =	sst s19;
	s20 =	spop (v2sf);
	(v2sf) =	vpush v33, $0xC  }
0xef: {  	[smem:s18+$0x204] =	sst s20;
	s21 =	spop (v2sf);
	(v2sf) =	vpush v34, $0xC  }
0xf0: {  	[smem:s18+$0x5] =	sst s21;
	s22 =	spop (v2sf);
	(v2sf) =	vpush v33, $0xD  }
0xf1: {  	[smem:s18+$0x205] =	sst s22;
	s23 =	spop (v2sf);
	(v2sf) =	vpush v34, $0xD  }
0xf2: {  	[smem:s18+$0x6] =	sst s23;
	s24 =	spop (v2sf)  }
0xf3: {  	(v2sf) =	vpush v33, $0xE;
	[smem:s18+$0x206] =	sst s24;
	s25 =	spop (v2sf)  }
0xf4: {  	(v2sf) =	vpush v34, $0xE;
	[smem:s18+$0x7] =	sst s25;
	s26 =	spop (v2sf)  }
0xf5: {  	(v2sf) =	vpush v33, $0xF;
	[smem:s18+$0x207] =	sst s26;
	s28 =	spop (v2sf)  }
0xf6: {  	(v2sf) =	vpush v34, $0xF;
	[smem:s18+$0x8] =	sst s28;
	s29 =	spop (v2sf)  }
0xf7: {  	[smem:s18+$0x208] =	sst s29;
	s30 =	spop (v2sf)  }
0xf8: {  	[smem:s18+$0x9] =	sst s30;
	s31 =	spop (v2sf)  }
0xf9: {  	[smem:s18+$0x209] =	sst s31;
	s19 =	spop (v2sf)  }
0xfa: {  	[smem:s18+$0xA] =	sst s19;
	s20 =	spop (v2sf)  }
0xfb: {  	[smem:s18+$0x20A] =	sst s20;
	s21 =	spop (v2sf)  }
0xfc: {  	[smem:s18+$0xB] =	sst s21;
	s22 =	spop (v2sf)  }
0xfd: {  	[smem:s18+$0x20B] =	sst s22;
	s23 =	spop (v2sf)  }
0xfe: {  	[smem:s18+$0xC] =	sst s23;
	s24 =	spop (v2sf)  }
0xff: {  	[smem:s18+$0x20C] =	sst s24;
	s25 =	spop (v2sf)  }
0x100: {  	[smem:s18+$0xD] =	sst s25;
	s26 =	spop (v2sf)  }
0x101: {  	[smem:s18+$0x20D] =	sst s26  }
.Ltmp3:
0x102: {  	s28 =	spop (v2sf);
	(pc) =	sbr.rel .LBB2_4-.Ltmp3, $4  }
0x103: {  	[smem:s18+$0xE] =	sst s28;
	s29 =	spop (v2sf)  }
0x104: {  	s17 =	simm.s32 $0xFFFFFFFE;
	[smem:s18+$0x20E] =	sst s29;
	s30 =	spop (v2sf)  }
0x105: {  	s19 =	simm.s32 $0x202;
	[smem:s18+$0xF] =	sst s30;
	s31 =	spop (v2sf)  }
0x106: {  	s20 =	simm.s32 $0x2;
	[smem:s18+$0x20F] =	sst s31;
	s18 =	simm.s32 $0xFFFFFFF8  }
.LBB2_6:
0x107: {  	s17 =	sadd.s32 $0x1, s17  }
0x108: {  	p0 =	sne.s32 s17, $0x80  }
.Ltmp4:
0x109: {  	_ = 	snop;
	(pc) =	sbr.rel @!p0 .LBB2_7-.Ltmp4, $2  }
0x10a: {  	_ =	sdelay $0x2  }
0x10b: {  	s18 =	sadd.s32 $0x4, s18;
	s19 =	sadd.s32 $0x4, s19;
	s20 =	sadd.s32 $0x4, s20  }
.LBB2_4:
0x10c: {  	s22 =	sadd.s32 $0x2, s17  }
0x10d: {  	p0 =	sgt.u32 s22, $0x7F  }
0x10e: {  	s21 =	smul.u32 @!p0 $0xAB, s22;
	_ =	sdelay $0x1  }
0x10f: {  	s21 =	sshrl.u32 @!p0 s21, $0x9  }
0x110: {  	s21 =	sand.u32 @!p0 $0x7F, s21  }
0x111: {  	s21 =	smul.u32 @!p0 $0x3, s21  }
0x112: {  	s23 =	sld @!p0 [smem:s20+$0xFFFFFFFE]  }
0x113: {  	s21 =	ssub.s32 @!p0 s22, s21  }
0x114: {  	s25 =	sld @!p0 [smem:s19+$0xFFFFFFFE];
	s21 =	sand.u32 @!p0 $0xFF, s21  }
0x115: {  	s28 =	simm.s32 @!p0 $0x400;
	s23 =	sand.u32 @!p0 $0xFFFFF80, s23;
	s21 =	sshll.u32 @!p0 s21, $0xF  }
0x116: {  	s29 =	simm.s32 @!p0 $0x7A1400;
	s26 =	sadd.s32 @!p0 s0, s23;
	s24 =	sor.u32 @!p0 $0x4400, s21  }
0x117: {  	[tilespmem:s24], [sflag:$0x1] =	stream.strided.gather @!p0 [hbm4b:s26+s28], $0x800, s29, s28, $0x38;
	[tilespmem:$0x1C400] =	vst v63  }
0x118: {  	s24 =	sand.u32 @!p0 $0xFFFFF80, s25  }
0x119: {  	s25 =	sor.u32 @!p0 $0x4C00, s21;
	s26 =	sadd.s32 @!p0 s1, s24  }
0x11a: {  	[tilespmem:s25], [sflag:$0x1] =	stream.strided.gather @!p0 [hbm4b:s26+s28], $0x800, s29, s28, $0x38;
	[tilespmem:$0x1C400] =	vst v63  }
0x11b: {  	s23 =	sadd.s32 @!p0 s2, s23;
	s25 =	sor.u32 @!p0 $0x5400, s21  }
0x11c: {  	[tilespmem:s25], [sflag:$0x1] =	stream.strided.gather @!p0 [hbm4b:s23+s28], $0x800, s29, s28, $0x38;
	[tilespmem:$0x1C400] =	vst v63  }
0x11d: {  	s23 =	sld @!p0 [smem:s20+$0xFFFFFFFF]  }
0x11e: {  	s24 =	sadd.s32 @!p0 s3, s24;
	s25 =	sor.u32 @!p0 $0x5C00, s21  }
0x11f: {  	[tilespmem:s25], [sflag:$0x1] =	stream.strided.gather @!p0 [hbm4b:s24+s28], $0x800, s29, s28, $0x38;
	[tilespmem:$0x1C400] =	vst v63  }
0x120: {  	s24 =	sld @!p0 [smem:s19+$0xFFFFFFFF];
	s23 =	sand.u32 @!p0 $0xFFFFF80, s23  }
0x121: {  	s25 =	sor.u32 @!p0 $0x6400, s21;
	s26 =	sadd.s32 @!p0 s0, s23  }
0x122: {  	[tilespmem:s25], [sflag:$0x1] =	stream.strided.gather @!p0 [hbm4b:s26+s28], $0x800, s29, s28, $0x38;
	[tilespmem:$0x1C400] =	vst v63  }
0x123: {  	s24 =	sand.u32 @!p0 $0xFFFFF80, s24  }
0x124: {  	s25 =	sor.u32 @!p0 $0x6C00, s21;
	s26 =	sadd.s32 @!p0 s1, s24  }
0x125: {  	[tilespmem:s25], [sflag:$0x1] =	stream.strided.gather @!p0 [hbm4b:s26+s28], $0x800, s29, s28, $0x38;
	[tilespmem:$0x1C400] =	vst v63  }
0x126: {  	s23 =	sadd.s32 @!p0 s2, s23;
	s25 =	sor.u32 @!p0 $0x7400, s21  }
0x127: {  	[tilespmem:s25], [sflag:$0x1] =	stream.strided.gather @!p0 [hbm4b:s23+s28], $0x800, s29, s28, $0x38;
	[tilespmem:$0x1C400] =	vst v63  }
0x128: {  	s23 =	sld @!p0 [smem:s20+$0x0]  }
0x129: {  	s24 =	sadd.s32 @!p0 s3, s24;
	s25 =	sor.u32 @!p0 $0x7C00, s21  }
0x12a: {  	[tilespmem:s25], [sflag:$0x1] =	stream.strided.gather @!p0 [hbm4b:s24+s28], $0x800, s29, s28, $0x38;
	[tilespmem:$0x1C400] =	vst v63  }
0x12b: {  	s24 =	sld @!p0 [smem:s19+$0x0];
	s23 =	sand.u32 @!p0 $0xFFFFF80, s23  }
0x12c: {  	s25 =	sadd.s32 @!p0 $0x8400, s21;
	s26 =	sadd.s32 @!p0 s0, s23  }
0x12d: {  	[tilespmem:s25], [sflag:$0x1] =	stream.strided.gather @!p0 [hbm4b:s26+s28], $0x800, s29, s28, $0x38;
	[tilespmem:$0x1C400] =	vst v63  }
0x12e: {  	s24 =	sand.u32 @!p0 $0xFFFFF80, s24  }
0x12f: {  	s25 =	sadd.s32 @!p0 $0x8C00, s21;
	s26 =	sadd.s32 @!p0 s1, s24  }
0x130: {  	[tilespmem:s25], [sflag:$0x1] =	stream.strided.gather @!p0 [hbm4b:s26+s28], $0x800, s29, s28, $0x38;
	[tilespmem:$0x1C400] =	vst v63  }
0x131: {  	s23 =	sadd.s32 @!p0 s2, s23;
	s25 =	sadd.s32 @!p0 $0x9400, s21  }
0x132: {  	[tilespmem:s25], [sflag:$0x1] =	stream.strided.gather @!p0 [hbm4b:s23+s28], $0x800, s29, s28, $0x38;
	[tilespmem:$0x1C400] =	vst v63  }
0x133: {  	s23 =	sld @!p0 [smem:s20+$0x1]  }
0x134: {  	s24 =	sadd.s32 @!p0 s3, s24;
	s25 =	sadd.s32 @!p0 $0x9C00, s21  }
0x135: {  	[tilespmem:s25], [sflag:$0x1] =	stream.strided.gather @!p0 [hbm4b:s24+s28], $0x800, s29, s28, $0x38;
	[tilespmem:$0x1C400] =	vst v63  }
0x136: {  	s24 =	sld @!p0 [smem:s19+$0x1];
	s23 =	sand.u32 @!p0 $0xFFFFF80, s23  }
0x137: {  	s25 =	sadd.s32 @!p0 $0xA400, s21;
	s26 =	sadd.s32 @!p0 s0, s23  }
0x138: {  	[tilespmem:s25], [sflag:$0x1] =	stream.strided.gather @!p0 [hbm4b:s26+s28], $0x800, s29, s28, $0x38;
	[tilespmem:$0x1C400] =	vst v63  }
0x139: {  	s24 =	sand.u32 @!p0 $0xFFFFF80, s24  }
0x13a: {  	s25 =	sadd.s32 @!p0 $0xAC00, s21;
	s26 =	sadd.s32 @!p0 s1, s24  }
0x13b: {  	[tilespmem:s25], [sflag:$0x1] =	stream.strided.gather @!p0 [hbm4b:s26+s28], $0x800, s29, s28, $0x38;
	[tilespmem:$0x1C400] =	vst v63  }
0x13c: {  	s23 =	sadd.s32 @!p0 s2, s23;
	s25 =	sadd.s32 @!p0 $0xB400, s21  }
0x13d: {  	[tilespmem:s25], [sflag:$0x1] =	stream.strided.gather @!p0 [hbm4b:s23+s28], $0x800, s29, s28, $0x38;
	[tilespmem:$0x1C400] =	vst v63  }
0x13e: {  	p1 =	slt.u32 @!p0 s22, $0x2;
	s21 =	sadd.s32 @!p0 $0xBC00, s21;
	s23 =	sadd.s32 @!p0 s3, s24  }
0x13f: {  	[tilespmem:s21], [sflag:$0x1] =	stream.strided.gather @!p0 [hbm4b:s23+s28], $0x800, s29, s28, $0x38;
	[tilespmem:$0x1C400] =	vst v63  }
0x140: {  	p0 =	por p0, !p1  }
.Ltmp5:
0x141: {  	_ = 	snop;
	(pc) =	sbr.rel @!p0 .LBB2_6-.Ltmp5, $1  }
0x142: {  	_ =	sdelay $0x3  }
0x143: {  	s21 =	sand.u32 $0x1F, s17;
	p0 =	slt.u32 s22, $0x42  }
0x144: {  	p1 =	sne.s32 @!p0 s21, $0x0  }
0x145: {  	p0 =	por p1, p0  }
0x146: {  	s22 =	simm.s32 @!p0 $0x2  }
0x147: {  	_ =	swait.ge @!p0 [sflag:s22], $0x2000  }
0x148: {  	[sflag:s22] =	ssyncset.done @!p0 $0x0  }
0x149: {  	[sflag:s22] =	ssyncadd.s32 @!p0 $0xFFFFE000  }
0x14a: {  	_ =	swait.ge [sflag:s14], $0x800  }
0x14b: {  	[sflag:s14] =	ssyncset.done $0x0  }
0x14c: {  	[sflag:s14] =	ssyncadd.s32 $0xFFFFF800  }
0x14d: {  	_ =	swait.ge [sflag:s14], $0x800  }
0x14e: {  	[sflag:s14] =	ssyncset.done $0x0  }
0x14f: {  	[sflag:s14] =	ssyncadd.s32 $0xFFFFF800  }
0x150: {  	_ =	swait.ge [sflag:s14], $0x800  }
0x151: {  	[sflag:s14] =	ssyncset.done $0x0  }
0x152: {  	[sflag:s14] =	ssyncadd.s32 $0xFFFFF800  }
0x153: {  	_ =	swait.ge [sflag:s14], $0x800  }
0x154: {  	[sflag:s14] =	ssyncset.done $0x0  }
0x155: {  	[sflag:s14] =	ssyncadd.s32 $0xFFFFF800  }
0x156: {  	_ =	swait.ge [sflag:s14], $0x800  }
0x157: {  	[sflag:s14] =	ssyncset.done $0x0  }
0x158: {  	[sflag:s14] =	ssyncadd.s32 $0xFFFFF800  }
0x159: {  	_ =	swait.ge [sflag:s14], $0x800  }
0x15a: {  	[sflag:s14] =	ssyncset.done $0x0  }
0x15b: {  	[sflag:s14] =	ssyncadd.s32 $0xFFFFF800  }
0x15c: {  	_ =	swait.ge [sflag:s14], $0x800  }
0x15d: {  	[sflag:s14] =	ssyncset.done $0x0  }
0x15e: {  	[sflag:s14] =	ssyncadd.s32 $0xFFFFF800  }
0x15f: {  	_ =	swait.ge [sflag:s14], $0x800  }
0x160: {  	[sflag:s14] =	ssyncset.done $0x0  }
0x161: {  	[sflag:s14] =	ssyncadd.s32 $0xFFFFF800  }
0x162: {  	_ =	swait.ge [sflag:s14], $0x800  }
0x163: {  	[sflag:s14] =	ssyncset.done $0x0  }
0x164: {  	[sflag:s14] =	ssyncadd.s32 $0xFFFFF800  }
0x165: {  	_ =	swait.ge [sflag:s14], $0x800  }
0x166: {  	[sflag:s14] =	ssyncset.done $0x0  }
0x167: {  	[sflag:s14] =	ssyncadd.s32 $0xFFFFF800  }
0x168: {  	_ =	swait.ge [sflag:s14], $0x800  }
0x169: {  	[sflag:s14] =	ssyncset.done $0x0  }
0x16a: {  	[sflag:s14] =	ssyncadd.s32 $0xFFFFF800  }
0x16b: {  	_ =	swait.ge [sflag:s14], $0x800  }
0x16c: {  	[sflag:s14] =	ssyncset.done $0x0  }
0x16d: {  	[sflag:s14] =	ssyncadd.s32 $0xFFFFF800  }
0x16e: {  	_ =	swait.ge [sflag:s14], $0x800  }
0x16f: {  	[sflag:s14] =	ssyncset.done $0x0  }
0x170: {  	[sflag:s14] =	ssyncadd.s32 $0xFFFFF800  }
0x171: {  	_ =	swait.ge [sflag:s14], $0x800  }
0x172: {  	[sflag:s14] =	ssyncset.done $0x0  }
0x173: {  	[sflag:s14] =	ssyncadd.s32 $0xFFFFF800  }
0x174: {  	_ =	swait.ge [sflag:s14], $0x800  }
0x175: {  	v33 =	vor.u32 s18, v0;
	[sflag:s14] =	ssyncset.done $0x0  }
0x176: {  	[sflag:s14] =	ssyncadd.s32 $0xFFFFF800  }
0x177: {  	_ =	swait.ge [sflag:s14], $0x800  }
0x178: {  	[sflag:s14] =	ssyncset.done $0x0  }
0x179: {  	[sflag:s14] =	ssyncadd.s32 $0xFFFFF800  }
0x17a: {  	v34 =	vld.idx.msk [tilespmem:v33+s7+$0x0], $0xffff  }
0x17b: {  	v33 =	vld.idx.msk [tilespmem:v33+s13+$0x0], $0xffff;
	_ =	sdelay $0x1  }
0x17c: {  	s30 =	sand.u32 $0xFF, s17  }
0x17d: {  	s22 =	smul.u32 $0xAB, s30;
	_ =	sdelay $0x1  }
0x17e: {  	s22 =	sshrl.u32 s22, $0x9;
	v33 =	vsel vm0, v34, v33  }
0x17f: {  	s22 =	smul.u32 $0x3, s22;
	v33 =	vand.u32 $0x7F, v33  }
0x180: {  	v59 =	vor.u32 v1, v33  }
0x181: {  	s22 =	ssub.s32 s17, s22  }
0x182: {  	s22 =	sand.u32 $0xFF, s22  }
0x183: {  	s22 =	sshll.u32 s22, $0xF  }
0x184: {  	s23 =	sand.u32 $0x7C, s18;
	s24 =	sor.u32 $0x4400, s22  }
0x185: {  	v35 =	vor.u32 s23, v2;
	v34 =	vld.idx.msk [tilespmem:v59+s24+$0x0], $0xffff  }
0x186: {  	v36 =	vor.u32 v3, v33  }
0x187: {  	s31 =	sshll.u32 s17, $0x8  }
0x188: {  	s22 =	sand.u32 $0x2000, s31  }
0x189: {  	s22 =	sor.u32 $0x400, s22  }
0x18a: {  	[tilespmem:v35+s22+$0x0] =	vst.idx.msk $0xffff, v34  }
0x18b: {  	v60 =	vor.u32 s23, v4;
	v34 =	vld.idx.msk [tilespmem:v36+s24+$0x0], $0xffff  }
0x18c: {  	v61 =	vor.u32 v5, v33;
	_ =	sdelay $0x3  }
0x18d: {  	[tilespmem:v60+s22+$0x0] =	vst.idx.msk $0xffff, v34  }
0x18e: {  	v62 =	vor.u32 s23, v6;
	v34 =	vld.idx.msk [tilespmem:v61+s24+$0x0], $0xffff  }
0x18f: {  	v63 =	vor.u32 v7, v33;
	_ =	sdelay $0x3  }
0x190: {  	[tilespmem:v62+s22+$0x0] =	vst.idx.msk $0xffff, v34  }
0x191: {  	v40 =	vor.u32 s23, v8;
	v34 =	vld.idx.msk [tilespmem:v63+s24+$0x0], $0xffff  }
0x192: {  	v41 =	vor.u32 v9, v33;
	_ =	sdelay $0x3  }
0x193: {  	[tilespmem:v40+s22+$0x0] =	vst.idx.msk $0xffff, v34  }
0x194: {  	v42 =	vor.u32 s23, v10;
	v34 =	vld.idx.msk [tilespmem:v41+s24+$0x0], $0xffff  }
0x195: {  	v43 =	vor.u32 v11, v33;
	_ =	sdelay $0x3  }
0x196: {  	[tilespmem:v42+s22+$0x0] =	vst.idx.msk $0xffff, v34  }
0x197: {  	v44 =	vor.u32 s23, v12;
	v34 =	vld.idx.msk [tilespmem:v43+s24+$0x0], $0xffff  }
0x198: {  	v45 =	vor.u32 v13, v33;
	_ =	sdelay $0x3  }
0x199: {  	[tilespmem:v44+s22+$0x0] =	vst.idx.msk $0xffff, v34  }
0x19a: {  	v46 =	vor.u32 s23, v14;
	v34 =	vld.idx.msk [tilespmem:v45+s24+$0x0], $0xffff  }
0x19b: {  	v47 =	vor.u32 v15, v33;
	_ =	sdelay $0x3  }
0x19c: {  	[tilespmem:v46+s22+$0x0] =	vst.idx.msk $0xffff, v34  }
0x19d: {  	v48 =	vor.u32 s23, v16;
	v34 =	vld.idx.msk [tilespmem:v47+s24+$0x0], $0xffff  }
0x19e: {  	v49 =	vor.u32 v17, v33;
	_ =	sdelay $0x3  }
0x19f: {  	[tilespmem:v48+s22+$0x0] =	vst.idx.msk $0xffff, v34  }
0x1a0: {  	v50 =	vor.u32 s23, v18;
	v34 =	vld.idx.msk [tilespmem:v49+s24+$0x0], $0xffff  }
0x1a1: {  	v51 =	vor.u32 v19, v33;
	_ =	sdelay $0x3  }
0x1a2: {  	[tilespmem:v50+s22+$0x0] =	vst.idx.msk $0xffff, v34  }
0x1a3: {  	v52 =	vor.u32 s23, v20;
	v34 =	vld.idx.msk [tilespmem:v51+s24+$0x0], $0xffff  }
0x1a4: {  	v53 =	vor.u32 v21, v33;
	_ =	sdelay $0x3  }
0x1a5: {  	[tilespmem:v52+s22+$0x0] =	vst.idx.msk $0xffff, v34  }
0x1a6: {  	v54 =	vor.u32 s23, v22;
	v34 =	vld.idx.msk [tilespmem:v53+s24+$0x0], $0xffff  }
0x1a7: {  	v55 =	vor.u32 v23, v33;
	_ =	sdelay $0x3  }
0x1a8: {  	[tilespmem:v54+s22+$0x0] =	vst.idx.msk $0xffff, v34  }
0x1a9: {  	v56 =	vor.u32 s23, v24;
	v34 =	vld.idx.msk [tilespmem:v55+s24+$0x0], $0xffff  }
0x1aa: {  	v57 =	vor.u32 v25, v33;
	_ =	sdelay $0x3  }
0x1ab: {  	[tilespmem:v56+s22+$0x0] =	vst.idx.msk $0xffff, v34  }
0x1ac: {  	v58 =	vor.u32 s23, v26;
	v34 =	vld.idx.msk [tilespmem:v57+s24+$0x0], $0xffff  }
0x1ad: {  	v59 =	vor.u32 v27, v33;
	_ =	sdelay $0x3  }
0x1ae: {  	[tilespmem:v58+s22+$0x0] =	vst.idx.msk $0xffff, v34  }
0x1af: {  	v60 =	vor.u32 s23, v28;
	v34 =	vld.idx.msk [tilespmem:v59+s24+$0x0], $0xffff  }
0x1b0: {  	v61 =	vor.u32 v29, v33;
	_ =	sdelay $0x3  }
0x1b1: {  	[tilespmem:v60+s22+$0x0] =	vst.idx.msk $0xffff, v34  }
0x1b2: {  	v62 =	vor.u32 s23, v30;
	v34 =	vld.idx.msk [tilespmem:v61+s24+$0x0], $0xffff  }
0x1b3: {  	v33 =	vor.u32 v31, v33;
	_ =	sdelay $0x3  }
0x1b4: {  	[tilespmem:v62+s22+$0x0] =	vst.idx.msk $0xffff, v34  }
0x1b5: {  	v63 =	vor.u32 s23, v32;
	v33 =	vld.idx.msk [tilespmem:v33+s24+$0x0], $0xffff  }
0x1b6: {  	p0 =	sne.s32 s21, $0x1F;
	s23 =	sshrl.u32 s17, $0x5  }
.Ltmp6:
0x1b7: {  	s21 =	sshll.u32 @!p0 s23, $0x7;
	(pc) =	sbr.rel .LBB2_6-.Ltmp6, $4  }
0x1b8: {  	s21 =	sadd.s32 @!p0 s8, s21  }
0x1b9: {  	s21 =	sand.u32 @!p0 $0x1FFFFF80, s21  }
0x1ba: {  	s23 =	simm.s32 @!p0 $0x400;
	s21 =	sadd.s32 @!p0 s5, s21;
	s24 =	simm.s32 @!p0 $0x20000;
	[tilespmem:v63+s22+$0x0] =	vst.idx.msk $0xffff, v33  }
0x1bb: {  	[hbm4b:s21+s23] =	stream.strided.scatter @!p0 [tilespmem:s22], [sflag:$0x2], $0x2000, s24, s23, $0x38;
	[tilespmem:$0x1C400] =	vst v63  }
.LBB2_8:
0x1bc: {  	_ =	sfence.sel $0x180000  }
0x1bd: {  	[bflag:$0x0] =	sbarrier.arrive $0xFFFF  }
0x1be: {  	p0 =	sne.s32 s6, $0x0;
	_ =	strace $0x90000047  }
0x1bf: {  	s0 =	sadd.s32 @!p0 $0x100000, s4;
	[bflag:$0x2] =	sbarrier.arrive $0xFFFF  }
0x1c0: {  	[sflag:s0] =	ssyncadd.tile.s32 @!p0 $0x1;
	_ =	shalt  }
.Lfunc_end2:
_tile_overlayer_lowered:
.L_overlay_start_2:
0x1c1: {  	(tag) =	ssettag $0x2  }
0x1c2: {  	s0 =	rddreg [dreg:$0x0];
	s2 =	stileid.u32  }
0x1c3: {  	s1 =	rddreg [dreg:$0x1];
	p0 =	sne.s32 s2, $0x0  }
0x1c4: {  	s3 =	rddreg [dreg:$0x2];
	[bflag:$0x3] =	sbarrier.arrive $0xFFFF;
	s2 =	simm.s32 @!p0 $0x1C03  }
0x1c5: {  	[timem:s3], [sflag:s2] =	dma.local @!p0 [hbm:s0], s1  }
0x1c6: {  	s0 =	simm.s32 @!p0 $0x3  }
0x1c7: {  	_ =	swait.ge @!p0 [sflag:s0], s1  }
0x1c8: {  	s1 =	ssub.s32 @!p0 $0x0, s1;
	[sflag:s0] =	ssyncset.done @!p0 $0x0  }
0x1c9: {  	[sflag:s0] =	ssyncadd.s32 @!p0 s1  }
0x1ca: {  	[bflag:$0x3] =	sbarrier.arrive $0xFFFF  }
0x1cb: {  	_ =	shalt  }

</sc_bundles>
